<compile_context>
chip_gen: v7x
topology: tpu7x:2x2x1
jax: 0.10.2.dev20260603
libtpu: 0.0.44.dev20260713+nightly
codegen_flags: <defaults>
</compile_context>

<pallas_src>
import functools

import jax
import jax.numpy as jnp
from jax import lax
from jax.experimental import pallas as pl
from jax.experimental.pallas import tpu as pltpu
from jax.experimental.pallas import tpu_sc as plsc

N = 10000
E = 320000
D = 128
H = 128
C = 16
G = 128
EPS = 1e-5

NC = 2
NS = 16
NW = NC * NS
CH = 128
KCH = 80
K0 = 80
K1 = 80
KMAX = max(K0, K1)
EROWS = 16 * K0 + 16 * K1 + 8 + max(0, K0 - K1)
EPAD = EROWS * CH
ROWS_PT = 632
ACC_ROWS = NS * ROWS_PT
DUMMY = N

_mesh = plsc.VectorSubcoreMesh(core_axis_name="c", subcore_axis_name="s")


HR = 128


@functools.partial(
    pl.kernel,
    out_type=jax.ShapeDtypeStruct((NW, HR * 128), jnp.float32),
    mesh=_mesh,
    compiler_params=pltpu.CompilerParams(needs_layout_passes=False),
    scratch_types=[
        pltpu.VMEM((KCH * CH,), jnp.int32),
        pltpu.VMEM((HR * 128,), jnp.float32),
    ],
)
def _sc_degree(dst_hbm, zeros_hbm, out_hbm, didx, hist):
    c = lax.axis_index("c")
    s = lax.axis_index("s")
    wid = c * NS + s
    pltpu.sync_copy(zeros_hbm, hist)
    pltpu.sync_copy(dst_hbm.at[pl.ds(wid * KCH * CH, KCH * CH)], didx)
    ones = jnp.ones((16,), jnp.float32)

    def body(j, carry):
        idx = didx[pl.ds(j * 16, 16)]
        plsc.addupdate_scatter(hist, [idx], ones)
        return carry

    lax.fori_loop(0, KCH * CH // 16, body, 0)
    pltpu.sync_copy(hist, out_hbm.at[wid])


@functools.partial(
    pl.kernel,
    out_type=jax.ShapeDtypeStruct((NC, ACC_ROWS, H), jnp.float32),
    mesh=_mesh,
    scratch_types=[
        pltpu.VMEM((KMAX + 8, CH), jnp.int32),
        pltpu.VMEM((1, CH), jnp.int32),
        pltpu.VMEM((1, CH), jnp.int32),
        pltpu.VMEM((CH, H), jnp.float32),
        pltpu.VMEM((CH, H), jnp.float32),
        pltpu.SemaphoreType.DMA,
        pltpu.SemaphoreType.DMA,
        pltpu.SemaphoreType.DMA,
        pltpu.SemaphoreType.DMA,
        pltpu.VMEM_SHARED((ACC_ROWS, H), jnp.float32),
    ],
)
def _sc_agg(xws_hbm, src_hbm, dst_hbm, zeros_hbm, out_hbm,
            sidx, didx_a, didx_b, rows_a, rows_b,
            gsem_a, gsem_b, da_sem, db_sem, acc):
    c = lax.axis_index("c")
    s = lax.axis_index("s")
    my_k = KCH
    base = (c * NS + s) * KCH
    pltpu.sync_copy(zeros_hbm, acc.at[pl.ds(s * ROWS_PT, ROWS_PT)])
    pltpu.sync_copy(src_hbm.at[pl.ds(base, KMAX + 8)], sidx)
    pltpu.async_copy(dst_hbm.at[pl.ds(base, 1)], didx_a, da_sem)
    pltpu.async_copy(dst_hbm.at[pl.ds(base + 1, 1)], didx_b, db_sem)
    plsc.subcore_barrier()
    pltpu.async_copy(xws_hbm.at[sidx.at[0]], rows_a, gsem_a)
    pltpu.async_copy(xws_hbm.at[sidx.at[1]], rows_b, gsem_b)

    def body(i, carry):
        k = i * 2
        kh = base + k
        pltpu.make_async_copy(xws_hbm.at[sidx.at[k]], rows_a, gsem_a).wait()
        pltpu.make_async_copy(dst_hbm.at[pl.ds(kh, 1)], didx_a, da_sem).wait()
        pltpu.sync_copy(rows_a, acc.at[didx_a.at[0]], add=True)
        pltpu.async_copy(xws_hbm.at[sidx.at[k + 2]], rows_a, gsem_a)
        pltpu.async_copy(dst_hbm.at[pl.ds(kh + 2, 1)], didx_a, da_sem)
        pltpu.make_async_copy(xws_hbm.at[sidx.at[k + 1]], rows_b,
                              gsem_b).wait()
        pltpu.make_async_copy(dst_hbm.at[pl.ds(kh + 1, 1)], didx_b,
                              db_sem).wait()
        pltpu.sync_copy(rows_b, acc.at[didx_b.at[0]], add=True)
        pltpu.async_copy(xws_hbm.at[sidx.at[k + 3]], rows_b, gsem_b)
        pltpu.async_copy(dst_hbm.at[pl.ds(kh + 3, 1)], didx_b, db_sem)
        return carry

    lax.fori_loop(0, my_k // 2, body, 0)
    pltpu.make_async_copy(xws_hbm.at[sidx.at[my_k]], rows_a, gsem_a).wait()
    pltpu.make_async_copy(xws_hbm.at[sidx.at[my_k + 1]], rows_b,
                          gsem_b).wait()
    ke = base + my_k
    pltpu.make_async_copy(dst_hbm.at[pl.ds(ke, 1)], didx_a, da_sem).wait()
    pltpu.make_async_copy(dst_hbm.at[pl.ds(ke + 1, 1)], didx_b, db_sem).wait()
    plsc.subcore_barrier()
    pltpu.sync_copy(acc.at[pl.ds(s * ROWS_PT, ROWS_PT)],
                    out_hbm.at[c, pl.ds(s * ROWS_PT, ROWS_PT)])


def _tc_prep_body(x_ref, w1_ref, cnt_ref, xws_ref, dinv_ref):
    cs = jnp.sum(cnt_ref[...], axis=0)
    deg = jnp.reshape(cs, (HR * 128, 1))[:N] + 1.0
    dinv = lax.rsqrt(deg)
    xw = jnp.dot(x_ref[...], w1_ref[...], preferred_element_type=jnp.float32)
    xws_ref[...] = xw * dinv
    dinv_ref[...] = dinv


def _bn_relu(h, g, be):
    mean = jnp.mean(h, axis=0, keepdims=True)
    var = jnp.mean((h - mean) ** 2, axis=0, keepdims=True)
    return jnp.maximum((h - mean) * lax.rsqrt(var + EPS) * g + be, 0.0)


def _tc_mid_body(agg_ref, xws_ref, dinv_ref, b_ref, g_ref, be_ref, w2_ref,
                 out_ref):
    agg = agg_ref[0, :N, :] + agg_ref[1, :N, :]
    dinv = dinv_ref[...]
    h = dinv * (agg + xws_ref[...]) + b_ref[...]
    hn = _bn_relu(h, g_ref[...], be_ref[...])
    out_ref[...] = jnp.dot(hn, w2_ref[...],
                           preferred_element_type=jnp.float32) * dinv


def _tc_fin_body(agg_ref, xws_ref, dinv_ref, b_ref, g_ref, be_ref,
                 batch_ref, wl_ref, bl_ref, out_ref):
    agg = agg_ref[0, :N, :] + agg_ref[1, :N, :]
    dinv = dinv_ref[...]
    h = dinv * (agg + xws_ref[...]) + b_ref[...]
    hn = _bn_relu(h, g_ref[...], be_ref[...])
    oh = (batch_ref[...] ==
          lax.broadcasted_iota(jnp.int32, (N, G), 1)).astype(jnp.float32)
    psum = lax.dot_general(oh, hn, (((0,), (0,)), ((), ())),
                           preferred_element_type=jnp.float32)
    cg = jnp.sum(oh, axis=0)[:, None]
    pooled = psum / jnp.maximum(cg, 1.0)
    out_ref[...] = jnp.dot(pooled, wl_ref[...],
                           preferred_element_type=jnp.float32) + bl_ref[...]


_tc_prep = pl.pallas_call(
    _tc_prep_body,
    out_shape=[jax.ShapeDtypeStruct((N, H), jnp.float32),
               jax.ShapeDtypeStruct((N, 1), jnp.float32)],
)

_tc_mid = pl.pallas_call(
    _tc_mid_body,
    out_shape=jax.ShapeDtypeStruct((N, H), jnp.float32),
)

_tc_fin = pl.pallas_call(
    _tc_fin_body,
    out_shape=jax.ShapeDtypeStruct((G, C), jnp.float32),
)


def kernel(x, edge_index, batch, W1, b1, gamma1, beta1, W2, b2, gamma2,
           beta2, Wlin, blin):
    src = edge_index[0]
    dst = edge_index[1]
    pad = EPAD - E
    src_r = jnp.concatenate(
        [src, jnp.zeros((pad,), jnp.int32)]).reshape(EROWS, CH)
    dst_r = jnp.concatenate(
        [dst, jnp.full((pad,), DUMMY, jnp.int32)]).reshape(EROWS, CH)
    zhist = jnp.zeros((HR * 128,), jnp.float32)
    z128 = jnp.zeros((ROWS_PT, H), jnp.float32)

    cnt = _sc_degree(dst_r.reshape(-1), zhist)
    xws1, dinv = _tc_prep(x, W1, cnt)
    agg1 = _sc_agg(xws1, src_r, dst_r, z128)
    xws2 = _tc_mid(agg1, xws1, dinv, b1.reshape(1, H), gamma1.reshape(1, H),
                   beta1.reshape(1, H), W2)
    agg2 = _sc_agg(xws2, src_r, dst_r, z128)
    out = _tc_fin(agg2, xws2, dinv, b2.reshape(1, H), gamma2.reshape(1, H),
                  beta2.reshape(1, H), batch.reshape(N, 1), Wlin,
                  blin.reshape(1, C))
    return out

# --- scband reference (transcript-rebuilt; emitter-appended) ---
"""Pipeline reference for scband-gcn-10170482556987 (READ-ONLY COPY).

The authoritative reference and input builder live on the scoring server;
editing this copy changes nothing except your own understanding.
"""

import jax, jax.numpy as jnp
import numpy as np

N = 10000
E = 320000
D = 128
H = 128
C = 16
G = 128
EPS = 1e-5


def gcn_conv(x, edge_index, W, b, num_nodes):
    # PyG GCNConv: add self-loops, symmetric normalization, scatter-add aggregation
    src = edge_index[0]
    dst = edge_index[1]
    loop = jnp.arange(num_nodes, dtype=src.dtype)
    src = jnp.concatenate([src, loop])
    dst = jnp.concatenate([dst, loop])
    deg = jnp.zeros((num_nodes,), dtype=x.dtype).at[dst].add(1.0)
    dinv = jnp.where(deg > 0, deg ** -0.5, 0.0)
    norm = dinv[src] * dinv[dst]
    xw = x @ W
    msg = xw[src] * norm[:, None]
    out = jnp.zeros((num_nodes, W.shape[1]), dtype=x.dtype).at[dst].add(msg)
    return out + b


def batch_norm_train(x, gamma, beta):
    mean = jnp.mean(x, axis=0)
    var = jnp.mean((x - mean) ** 2, axis=0)  # biased var, as used by BN for normalization
    return (x - mean) / jnp.sqrt(var + EPS) * gamma + beta


def global_mean_pool(x, batch, num_graphs):
    sums = jax.ops.segment_sum(x, batch, num_segments=num_graphs)
    cnt = jax.ops.segment_sum(jnp.ones((x.shape[0],), dtype=x.dtype), batch, num_segments=num_graphs)
    cnt = jnp.maximum(cnt, 1.0)
    return sums / cnt[:, None]


def setup_inputs(seed: int = 0) -> dict:
    key = jax.random.key(seed)
    ks = jax.random.split(key, 8)
    x = jax.random.normal(ks[0], (N, D), dtype=jnp.float32)
    edge_index = jax.random.randint(ks[1], (2, E), 0, N, dtype=jnp.int32)
    batch = jnp.sort(jax.random.randint(ks[2], (N,), 0, G, dtype=jnp.int32))
    W1 = jax.random.normal(ks[3], (D, H), dtype=jnp.float32) / np.sqrt(D)
    b1 = jnp.zeros((H,), dtype=jnp.float32)
    gamma1 = jnp.ones((H,), dtype=jnp.float32)
    beta1 = jnp.zeros((H,), dtype=jnp.float32)
    W2 = jax.random.normal(ks[4], (H, H), dtype=jnp.float32) / np.sqrt(H)
    b2 = jnp.zeros((H,), dtype=jnp.float32)
    gamma2 = jnp.ones((H,), dtype=jnp.float32)
    beta2 = jnp.zeros((H,), dtype=jnp.float32)
    Wlin = jax.random.normal(ks[5], (H, C), dtype=jnp.float32) / np.sqrt(H)
    blin = jnp.zeros((C,), dtype=jnp.float32)
    return {"x": x, "edge_index": edge_index, "batch": batch,
            "W1": W1, "b1": b1, "gamma1": gamma1, "beta1": beta1,
            "W2": W2, "b2": b2, "gamma2": gamma2, "beta2": beta2,
            "Wlin": Wlin, "blin": blin}


def reference(x, edge_index, batch, W1, b1, gamma1, beta1, W2, b2, gamma2, beta2, Wlin, blin):
    h = gcn_conv(x, edge_index, W1, b1, N)
    h = batch_norm_train(h, gamma1, beta1)
    h = jax.nn.relu(h)
    # dropout p=0.0 -> identity
    h = gcn_conv(h, edge_index, W2, b2, N)
    h = batch_norm_train(h, gamma2, beta2)
    h = jax.nn.relu(h)
    pooled = global_mean_pool(h, batch, G)
    return pooled @ Wlin + blin

if __name__ == "__main__":
    import jax
    _d = setup_inputs()
    print(jax.jit(kernel)(*tuple(_d.values())))

</pallas_src>

<mosaic_0001>
#map = affine_map<(d0, d1) -> (0, 0)>
#map1 = affine_map<(d0, d1) -> (0, 0, 0)>
module attributes {stable_mosaic.version = 14 : i64} {
  func.func @_sc_agg(%arg0: i32, %arg1: i32, %arg2: memref<10000x128xf32, #tpu.memory_space<hbm>>, %arg3: memref<2568x128xi32, #tpu.memory_space<hbm>>, %arg4: memref<2568x128xi32, #tpu.memory_space<hbm>>, %arg5: memref<632x128xf32, #tpu.memory_space<hbm>>, %arg6: memref<2x10112x128xf32, #tpu.memory_space<hbm>>, %arg7: memref<88x128xi32, #tpu.memory_space<vmem>>, %arg8: memref<1x128xi32, #tpu.memory_space<vmem>>, %arg9: memref<1x128xi32, #tpu.memory_space<vmem>>, %arg10: memref<128x128xf32, #tpu.memory_space<vmem>>, %arg11: memref<128x128xf32, #tpu.memory_space<vmem>>, %arg12: memref<!tpu.dma_semaphore, #tpu.memory_space<semaphore_mem>>, %arg13: memref<!tpu.dma_semaphore, #tpu.memory_space<semaphore_mem>>, %arg14: memref<!tpu.dma_semaphore, #tpu.memory_space<semaphore_mem>>, %arg15: memref<!tpu.dma_semaphore, #tpu.memory_space<semaphore_mem>>, %arg16: memref<10112x128xf32, #tpu.memory_space<vmem_shared>>) attributes {dimension_semantics = [#tpu.dimension_semantics<core_parallel>, #tpu.dimension_semantics<subcore_parallel>], iteration_bounds = array<i64: 2, 16>, scalar_prefetch = 0 : i64, scratch_operands = 10 : i64, tpu.core_type = #tpu.core_type<sc_vector_subcore>, window_params = [{transform_indices = #map}, {transform_indices = #map}, {transform_indices = #map}, {transform_indices = #map}, {transform_indices = #map1}]} {
    %mul3A = arith.constant 16 : i32
    %mul3A_0 = arith.muli %arg0, %mul3A : i32
    %add3A = arith.addi %mul3A_0, %arg1 : i32
    %mul3A_1 = arith.constant 80 : i32
    %mul3A_2 = arith.muli %add3A, %mul3A_1 : i32
    %mul3A_3 = arith.constant 632 : i32
    %mul3A_4 = arith.muli %arg1, %mul3A_3 : i32
    "tpu.region"() ({
      %run_scoped3A = tpu.sem_alloc : memref<!tpu.dma_semaphore, #tpu.memory_space<semaphore_mem>>
      %dma_start3A_63 = arith.constant 0 : i32
      %dma_start3A_64 = tpu.memref_slice %arg16[%mul3A_4, %dma_start3A_63] : memref<10112x128xf32, #tpu.memory_space<vmem_shared>> -> memref<632x128xf32, #tpu.memory_space<vmem_shared>>
      tpu.enqueue_dma source(%arg5 : memref<632x128xf32, #tpu.memory_space<hbm>>) target(%dma_start3A_64 : memref<632x128xf32, #tpu.memory_space<vmem_shared>>) target_semaphore(%run_scoped3A : memref<!tpu.dma_semaphore, #tpu.memory_space<semaphore_mem>>)
      %dma_wait3A_65 = arith.constant 0 : i32
      %dma_wait3A_66 = tpu.memref_slice %arg16[%mul3A_4, %dma_wait3A_65] : memref<10112x128xf32, #tpu.memory_space<vmem_shared>> -> memref<632x128xf32, #tpu.memory_space<vmem_shared>>
      tpu.wait_dma2 semaphore(%run_scoped3A : memref<!tpu.dma_semaphore, #tpu.memory_space<semaphore_mem>>) src(%arg5 : memref<632x128xf32, #tpu.memory_space<hbm>>) dst(%dma_wait3A_66 : memref<632x128xf32, #tpu.memory_space<vmem_shared>>)
      tpu.yield
    }) : () -> ()
    "tpu.region"() ({
      %run_scoped3A = tpu.sem_alloc : memref<!tpu.dma_semaphore, #tpu.memory_space<semaphore_mem>>
      %dma_start3A_63 = arith.constant 0 : i32
      %dma_start3A_64 = tpu.memref_slice %arg3[%mul3A_2, %dma_start3A_63] : memref<2568x128xi32, #tpu.memory_space<hbm>> -> memref<88x128xi32, #tpu.memory_space<hbm>>
      %dma_start3A_65 = arith.constant 0 : i32
      %dma_start3A_66 = tpu.memref_slice %arg3[%mul3A_2, %dma_start3A_65] : memref<2568x128xi32, #tpu.memory_space<hbm>> -> memref<88x128xi32, #tpu.memory_space<hbm>>
      tpu.enqueue_dma source(%dma_start3A_66 : memref<88x128xi32, #tpu.memory_space<hbm>>) target(%arg7 : memref<88x128xi32, #tpu.memory_space<vmem>>) target_semaphore(%run_scoped3A : memref<!tpu.dma_semaphore, #tpu.memory_space<semaphore_mem>>)
      %dma_wait3A_67 = arith.constant 0 : i32
      %dma_wait3A_68 = tpu.memref_slice %arg3[%mul3A_2, %dma_wait3A_67] : memref<2568x128xi32, #tpu.memory_space<hbm>> -> memref<88x128xi32, #tpu.memory_space<hbm>>
      %dma_wait3A_69 = arith.constant 0 : i32
      %dma_wait3A_70 = tpu.memref_slice %arg3[%mul3A_2, %dma_wait3A_69] : memref<2568x128xi32, #tpu.memory_space<hbm>> -> memref<88x128xi32, #tpu.memory_space<hbm>>
      tpu.wait_dma2 semaphore(%run_scoped3A : memref<!tpu.dma_semaphore, #tpu.memory_space<semaphore_mem>>) src(%dma_wait3A_70 : memref<88x128xi32, #tpu.memory_space<hbm>>) dst(%arg7 : memref<88x128xi32, #tpu.memory_space<vmem>>)
      tpu.yield
    }) : () -> ()
    %dma_start3A = arith.constant 0 : i32
    %dma_start3A_5 = tpu.memref_slice %arg4[%mul3A_2, %dma_start3A] : memref<2568x128xi32, #tpu.memory_space<hbm>> -> memref<1x128xi32, #tpu.memory_space<hbm>>
    %dma_start3A_6 = arith.constant 0 : i32
    %dma_start3A_7 = tpu.memref_slice %arg4[%mul3A_2, %dma_start3A_6] : memref<2568x128xi32, #tpu.memory_space<hbm>> -> memref<1x128xi32, #tpu.memory_space<hbm>>
    tpu.enqueue_dma source(%dma_start3A_7 : memref<1x128xi32, #tpu.memory_space<hbm>>) target(%arg8 : memref<1x128xi32, #tpu.memory_space<vmem>>) target_semaphore(%arg14 : memref<!tpu.dma_semaphore, #tpu.memory_space<semaphore_mem>>)
    %add3A_8 = arith.constant 1 : i32
    %add3A_9 = arith.addi %mul3A_2, %add3A_8 : i32
    %dma_start3A_10 = arith.constant 0 : i32
    %dma_start3A_11 = tpu.memref_slice %arg4[%add3A_9, %dma_start3A_10] : memref<2568x128xi32, #tpu.memory_space<hbm>> -> memref<1x128xi32, #tpu.memory_space<hbm>>
    %dma_start3A_12 = arith.constant 0 : i32
    %dma_start3A_13 = tpu.memref_slice %arg4[%add3A_9, %dma_start3A_12] : memref<2568x128xi32, #tpu.memory_space<hbm>> -> memref<1x128xi32, #tpu.memory_space<hbm>>
    tpu.enqueue_dma source(%dma_start3A_13 : memref<1x128xi32, #tpu.memory_space<hbm>>) target(%arg9 : memref<1x128xi32, #tpu.memory_space<vmem>>) target_semaphore(%arg15 : memref<!tpu.dma_semaphore, #tpu.memory_space<semaphore_mem>>)
    %barrier3A = arith.constant 0 : index
    tpu.barrier barrier_id(%barrier3A)
    %dma_start3A_14 = arith.constant 0 : i32
    %dma_start3A_15 = arith.constant 0 : i32
    %dma_start3A_16 = tpu.memref_slice %arg7[%dma_start3A_14, %dma_start3A_15] : memref<88x128xi32, #tpu.memory_space<vmem>> -> memref<1x128xi32, #tpu.memory_space<vmem>>
    %dma_start3A_17 = tpu.memref_squeeze %dma_start3A_16 : memref<1x128xi32, #tpu.memory_space<vmem>> -> memref<128xi32, #tpu.memory_space<vmem>>
    %dma_start3A_18 = arith.constant 0 : i32
    %dma_start3A_19 = arith.constant 0 : i32
    %dma_start3A_20 = tpu.memref_slice %arg2[%dma_start3A_18, %dma_start3A_19] : memref<10000x128xf32, #tpu.memory_space<hbm>> -> memref<10000x128xf32, #tpu.memory_space<hbm>>
    tpu.enqueue_indirect_dma source(%dma_start3A_20 : memref<10000x128xf32, #tpu.memory_space<hbm>>) target(%arg10 : memref<128x128xf32, #tpu.memory_space<vmem>>) offsets(%dma_start3A_17 : memref<128xi32, #tpu.memory_space<vmem>>) semaphore(%arg12 : memref<!tpu.dma_semaphore, #tpu.memory_space<semaphore_mem>>)
    %dma_start3A_21 = arith.constant 1 : i32
    %dma_start3A_22 = arith.constant 0 : i32
    %dma_start3A_23 = tpu.memref_slice %arg7[%dma_start3A_21, %dma_start3A_22] : memref<88x128xi32, #tpu.memory_space<vmem>> -> memref<1x128xi32, #tpu.memory_space<vmem>>
    %dma_start3A_24 = tpu.memref_squeeze %dma_start3A_23 : memref<1x128xi32, #tpu.memory_space<vmem>> -> memref<128xi32, #tpu.memory_space<vmem>>
    %dma_start3A_25 = arith.constant 0 : i32
    %dma_start3A_26 = arith.constant 0 : i32
    %dma_start3A_27 = tpu.memref_slice %arg2[%dma_start3A_25, %dma_start3A_26] : memref<10000x128xf32, #tpu.memory_space<hbm>> -> memref<10000x128xf32, #tpu.memory_space<hbm>>
    tpu.enqueue_indirect_dma source(%dma_start3A_27 : memref<10000x128xf32, #tpu.memory_space<hbm>>) target(%arg11 : memref<128x128xf32, #tpu.memory_space<vmem>>) offsets(%dma_start3A_24 : memref<128xi32, #tpu.memory_space<vmem>>) semaphore(%arg13 : memref<!tpu.dma_semaphore, #tpu.memory_space<semaphore_mem>>)
    %scan3A = arith.constant 0 : i32
    %scan3A_28 = arith.constant 0 : i32
    %scan3A_29 = arith.constant 40 : i32
    %scan3A_30 = arith.addi %scan3A_28, %scan3A_29 : i32
    %scan3A_31 = arith.constant 1 : i32
    scf.for %scan3A_63 = %scan3A_28 to %scan3A_30 step %scan3A_31  : i32 {
      %mul3A_64 = arith.constant 2 : i32
      %mul3A_65 = arith.muli %scan3A_63, %mul3A_64 : i32
      %add3A_66 = arith.addi %mul3A_2, %mul3A_65 : i32
      %dma_wait3A_67 = arith.constant 0 : i32
      %dma_wait3A_68 = tpu.memref_slice %arg7[%mul3A_65, %dma_wait3A_67] : memref<88x128xi32, #tpu.memory_space<vmem>> -> memref<1x128xi32, #tpu.memory_space<vmem>>
      %dma_wait3A_69 = tpu.memref_squeeze %dma_wait3A_68 : memref<1x128xi32, #tpu.memory_space<vmem>> -> memref<128xi32, #tpu.memory_space<vmem>>
      %dma_wait3A_70 = arith.constant 0 : i32
      %dma_wait3A_71 = arith.constant 0 : i32
      %dma_wait3A_72 = tpu.memref_slice %arg2[%dma_wait3A_70, %dma_wait3A_71] : memref<10000x128xf32, #tpu.memory_space<hbm>> -> memref<10000x128xf32, #tpu.memory_space<hbm>>
      tpu.wait_indirect_dma semaphore(%arg12 : memref<!tpu.dma_semaphore, #tpu.memory_space<semaphore_mem>>) src(%dma_wait3A_72 : memref<10000x128xf32, #tpu.memory_space<hbm>>) dst(%arg10 : memref<128x128xf32, #tpu.memory_space<vmem>>)
      %dma_wait3A_73 = arith.constant 0 : i32
      %dma_wait3A_74 = tpu.memref_slice %arg4[%add3A_66, %dma_wait3A_73] : memref<2568x128xi32, #tpu.memory_space<hbm>> -> memref<1x128xi32, #tpu.memory_space<hbm>>
      %dma_wait3A_75 = arith.constant 0 : i32
      %dma_wait3A_76 = tpu.memref_slice %arg4[%add3A_66, %dma_wait3A_75] : memref<2568x128xi32, #tpu.memory_space<hbm>> -> memref<1x128xi32, #tpu.memory_space<hbm>>
      tpu.wait_dma2 semaphore(%arg14 : memref<!tpu.dma_semaphore, #tpu.memory_space<semaphore_mem>>) src(%dma_wait3A_76 : memref<1x128xi32, #tpu.memory_space<hbm>>) dst(%arg8 : memref<1x128xi32, #tpu.memory_space<vmem>>)
      %run_scoped3A = arith.constant 0 : i32
      "tpu.region"() ({
        %run_scoped3A_120 = tpu.sem_alloc : memref<!tpu.dma_semaphore, #tpu.memory_space<semaphore_mem>>
        %dma_start3A_121 = arith.constant 0 : i32
        %dma_start3A_122 = tpu.memref_slice %arg8[%run_scoped3A, %dma_start3A_121] : memref<1x128xi32, #tpu.memory_space<vmem>> -> memref<1x128xi32, #tpu.memory_space<vmem>>
        %dma_start3A_123 = tpu.memref_squeeze %dma_start3A_122 : memref<1x128xi32, #tpu.memory_space<vmem>> -> memref<128xi32, #tpu.memory_space<vmem>>
        %dma_start3A_124 = arith.constant 0 : i32
        %dma_start3A_125 = arith.constant 0 : i32
        %dma_start3A_126 = tpu.memref_slice %arg16[%dma_start3A_124, %dma_start3A_125] : memref<10112x128xf32, #tpu.memory_space<vmem_shared>> -> memref<10112x128xf32, #tpu.memory_space<vmem_shared>>
        tpu.enqueue_indirect_dma source(%arg10 : memref<128x128xf32, #tpu.memory_space<vmem>>) target(%dma_start3A_126 : memref<10112x128xf32, #tpu.memory_space<vmem_shared>>) offsets(%dma_start3A_123 : memref<128xi32, #tpu.memory_space<vmem>>) semaphore(%run_scoped3A_120 : memref<!tpu.dma_semaphore, #tpu.memory_space<semaphore_mem>>) {add = true}
        %dma_wait3A_127 = arith.constant 0 : i32
        %dma_wait3A_128 = tpu.memref_slice %arg8[%run_scoped3A, %dma_wait3A_127] : memref<1x128xi32, #tpu.memory_space<vmem>> -> memref<1x128xi32, #tpu.memory_space<vmem>>
        %dma_wait3A_129 = tpu.memref_squeeze %dma_wait3A_128 : memref<1x128xi32, #tpu.memory_space<vmem>> -> memref<128xi32, #tpu.memory_space<vmem>>
        %dma_wait3A_130 = arith.constant 0 : i32
        %dma_wait3A_131 = arith.constant 0 : i32
        %dma_wait3A_132 = tpu.memref_slice %arg16[%dma_wait3A_130, %dma_wait3A_131] : memref<10112x128xf32, #tpu.memory_space<vmem_shared>> -> memref<10112x128xf32, #tpu.memory_space<vmem_shared>>
        tpu.wait_indirect_dma semaphore(%run_scoped3A_120 : memref<!tpu.dma_semaphore, #tpu.memory_space<semaphore_mem>>) src(%arg10 : memref<128x128xf32, #tpu.memory_space<vmem>>) dst(%dma_wait3A_132 : memref<10112x128xf32, #tpu.memory_space<vmem_shared>>)
        tpu.yield
      }) : () -> ()
      %add3A_77 = arith.constant 2 : i32
      %add3A_78 = arith.addi %mul3A_65, %add3A_77 : i32
      %dma_start3A_79 = arith.constant 0 : i32
      %dma_start3A_80 = tpu.memref_slice %arg7[%add3A_78, %dma_start3A_79] : memref<88x128xi32, #tpu.memory_space<vmem>> -> memref<1x128xi32, #tpu.memory_space<vmem>>
      %dma_start3A_81 = tpu.memref_squeeze %dma_start3A_80 : memref<1x128xi32, #tpu.memory_space<vmem>> -> memref<128xi32, #tpu.memory_space<vmem>>
      %dma_start3A_82 = arith.constant 0 : i32
      %dma_start3A_83 = arith.constant 0 : i32
      %dma_start3A_84 = tpu.memref_slice %arg2[%dma_start3A_82, %dma_start3A_83] : memref<10000x128xf32, #tpu.memory_space<hbm>> -> memref<10000x128xf32, #tpu.memory_space<hbm>>
      tpu.enqueue_indirect_dma source(%dma_start3A_84 : memref<10000x128xf32, #tpu.memory_space<hbm>>) target(%arg10 : memref<128x128xf32, #tpu.memory_space<vmem>>) offsets(%dma_start3A_81 : memref<128xi32, #tpu.memory_space<vmem>>) semaphore(%arg12 : memref<!tpu.dma_semaphore, #tpu.memory_space<semaphore_mem>>)
      %add3A_85 = arith.constant 2 : i32
      %add3A_86 = arith.addi %add3A_66, %add3A_85 : i32
      %dma_start3A_87 = arith.constant 0 : i32
      %dma_start3A_88 = tpu.memref_slice %arg4[%add3A_86, %dma_start3A_87] : memref<2568x128xi32, #tpu.memory_space<hbm>> -> memref<1x128xi32, #tpu.memory_space<hbm>>
      %dma_start3A_89 = arith.constant 0 : i32
      %dma_start3A_90 = tpu.memref_slice %arg4[%add3A_86, %dma_start3A_89] : memref<2568x128xi32, #tpu.memory_space<hbm>> -> memref<1x128xi32, #tpu.memory_space<hbm>>
      tpu.enqueue_dma source(%dma_start3A_90 : memref<1x128xi32, #tpu.memory_space<hbm>>) target(%arg8 : memref<1x128xi32, #tpu.memory_space<vmem>>) target_semaphore(%arg14 : memref<!tpu.dma_semaphore, #tpu.memory_space<semaphore_mem>>)
      %add3A_91 = arith.constant 1 : i32
      %add3A_92 = arith.addi %mul3A_65, %add3A_91 : i32
      %dma_wait3A_93 = arith.constant 0 : i32
      %dma_wait3A_94 = tpu.memref_slice %arg7[%add3A_92, %dma_wait3A_93] : memref<88x128xi32, #tpu.memory_space<vmem>> -> memref<1x128xi32, #tpu.memory_space<vmem>>
      %dma_wait3A_95 = tpu.memref_squeeze %dma_wait3A_94 : memref<1x128xi32, #tpu.memory_space<vmem>> -> memref<128xi32, #tpu.memory_space<vmem>>
      %dma_wait3A_96 = arith.constant 0 : i32
      %dma_wait3A_97 = arith.constant 0 : i32
      %dma_wait3A_98 = tpu.memref_slice %arg2[%dma_wait3A_96, %dma_wait3A_97] : memref<10000x128xf32, #tpu.memory_space<hbm>> -> memref<10000x128xf32, #tpu.memory_space<hbm>>
      tpu.wait_indirect_dma semaphore(%arg13 : memref<!tpu.dma_semaphore, #tpu.memory_space<semaphore_mem>>) src(%dma_wait3A_98 : memref<10000x128xf32, #tpu.memory_space<hbm>>) dst(%arg11 : memref<128x128xf32, #tpu.memory_space<vmem>>)
      %add3A_99 = arith.constant 1 : i32
      %add3A_100 = arith.addi %add3A_66, %add3A_99 : i32
      %dma_wait3A_101 = arith.constant 0 : i32
      %dma_wait3A_102 = tpu.memref_slice %arg4[%add3A_100, %dma_wait3A_101] : memref<2568x128xi32, #tpu.memory_space<hbm>> -> memref<1x128xi32, #tpu.memory_space<hbm>>
      %dma_wait3A_103 = arith.constant 0 : i32
      %dma_wait3A_104 = tpu.memref_slice %arg4[%add3A_100, %dma_wait3A_103] : memref<2568x128xi32, #tpu.memory_space<hbm>> -> memref<1x128xi32, #tpu.memory_space<hbm>>
      tpu.wait_dma2 semaphore(%arg15 : memref<!tpu.dma_semaphore, #tpu.memory_space<semaphore_mem>>) src(%dma_wait3A_104 : memref<1x128xi32, #tpu.memory_space<hbm>>) dst(%arg9 : memref<1x128xi32, #tpu.memory_space<vmem>>)
      %run_scoped3A_105 = arith.constant 0 : i32
      "tpu.region"() ({
        %run_scoped3A_120 = tpu.sem_alloc : memref<!tpu.dma_semaphore, #tpu.memory_space<semaphore_mem>>
        %dma_start3A_121 = arith.constant 0 : i32
        %dma_start3A_122 = tpu.memref_slice %arg9[%run_scoped3A_105, %dma_start3A_121] : memref<1x128xi32, #tpu.memory_space<vmem>> -> memref<1x128xi32, #tpu.memory_space<vmem>>
        %dma_start3A_123 = tpu.memref_squeeze %dma_start3A_122 : memref<1x128xi32, #tpu.memory_space<vmem>> -> memref<128xi32, #tpu.memory_space<vmem>>
        %dma_start3A_124 = arith.constant 0 : i32
        %dma_start3A_125 = arith.constant 0 : i32
        %dma_start3A_126 = tpu.memref_slice %arg16[%dma_start3A_124, %dma_start3A_125] : memref<10112x128xf32, #tpu.memory_space<vmem_shared>> -> memref<10112x128xf32, #tpu.memory_space<vmem_shared>>
        tpu.enqueue_indirect_dma source(%arg11 : memref<128x128xf32, #tpu.memory_space<vmem>>) target(%dma_start3A_126 : memref<10112x128xf32, #tpu.memory_space<vmem_shared>>) offsets(%dma_start3A_123 : memref<128xi32, #tpu.memory_space<vmem>>) semaphore(%run_scoped3A_120 : memref<!tpu.dma_semaphore, #tpu.memory_space<semaphore_mem>>) {add = true}
        %dma_wait3A_127 = arith.constant 0 : i32
        %dma_wait3A_128 = tpu.memref_slice %arg9[%run_scoped3A_105, %dma_wait3A_127] : memref<1x128xi32, #tpu.memory_space<vmem>> -> memref<1x128xi32, #tpu.memory_space<vmem>>
        %dma_wait3A_129 = tpu.memref_squeeze %dma_wait3A_128 : memref<1x128xi32, #tpu.memory_space<vmem>> -> memref<128xi32, #tpu.memory_space<vmem>>
        %dma_wait3A_130 = arith.constant 0 : i32
        %dma_wait3A_131 = arith.constant 0 : i32
        %dma_wait3A_132 = tpu.memref_slice %arg16[%dma_wait3A_130, %dma_wait3A_131] : memref<10112x128xf32, #tpu.memory_space<vmem_shared>> -> memref<10112x128xf32, #tpu.memory_space<vmem_shared>>
        tpu.wait_indirect_dma semaphore(%run_scoped3A_120 : memref<!tpu.dma_semaphore, #tpu.memory_space<semaphore_mem>>) src(%arg11 : memref<128x128xf32, #tpu.memory_space<vmem>>) dst(%dma_wait3A_132 : memref<10112x128xf32, #tpu.memory_space<vmem_shared>>)
        tpu.yield
      }) : () -> ()
      %add3A_106 = arith.constant 3 : i32
      %add3A_107 = arith.addi %mul3A_65, %add3A_106 : i32
      %dma_start3A_108 = arith.constant 0 : i32
      %dma_start3A_109 = tpu.memref_slice %arg7[%add3A_107, %dma_start3A_108] : memref<88x128xi32, #tpu.memory_space<vmem>> -> memref<1x128xi32, #tpu.memory_space<vmem>>
      %dma_start3A_110 = tpu.memref_squeeze %dma_start3A_109 : memref<1x128xi32, #tpu.memory_space<vmem>> -> memref<128xi32, #tpu.memory_space<vmem>>
      %dma_start3A_111 = arith.constant 0 : i32
      %dma_start3A_112 = arith.constant 0 : i32
      %dma_start3A_113 = tpu.memref_slice %arg2[%dma_start3A_111, %dma_start3A_112] : memref<10000x128xf32, #tpu.memory_space<hbm>> -> memref<10000x128xf32, #tpu.memory_space<hbm>>
      tpu.enqueue_indirect_dma source(%dma_start3A_113 : memref<10000x128xf32, #tpu.memory_space<hbm>>) target(%arg11 : memref<128x128xf32, #tpu.memory_space<vmem>>) offsets(%dma_start3A_110 : memref<128xi32, #tpu.memory_space<vmem>>) semaphore(%arg13 : memref<!tpu.dma_semaphore, #tpu.memory_space<semaphore_mem>>)
      %add3A_114 = arith.constant 3 : i32
      %add3A_115 = arith.addi %add3A_66, %add3A_114 : i32
      %dma_start3A_116 = arith.constant 0 : i32
      %dma_start3A_117 = tpu.memref_slice %arg4[%add3A_115, %dma_start3A_116] : memref<2568x128xi32, #tpu.memory_space<hbm>> -> memref<1x128xi32, #tpu.memory_space<hbm>>
      %dma_start3A_118 = arith.constant 0 : i32
      %dma_start3A_119 = tpu.memref_slice %arg4[%add3A_115, %dma_start3A_118] : memref<2568x128xi32, #tpu.memory_space<hbm>> -> memref<1x128xi32, #tpu.memory_space<hbm>>
      tpu.enqueue_dma source(%dma_start3A_119 : memref<1x128xi32, #tpu.memory_space<hbm>>) target(%arg9 : memref<1x128xi32, #tpu.memory_space<vmem>>) target_semaphore(%arg15 : memref<!tpu.dma_semaphore, #tpu.memory_space<semaphore_mem>>)
    }
    %scan3A_32 = arith.constant 40 : i32
    %dma_wait3A = arith.constant 80 : i32
    %dma_wait3A_33 = arith.constant 0 : i32
    %dma_wait3A_34 = tpu.memref_slice %arg7[%dma_wait3A, %dma_wait3A_33] : memref<88x128xi32, #tpu.memory_space<vmem>> -> memref<1x128xi32, #tpu.memory_space<vmem>>
    %dma_wait3A_35 = tpu.memref_squeeze %dma_wait3A_34 : memref<1x128xi32, #tpu.memory_space<vmem>> -> memref<128xi32, #tpu.memory_space<vmem>>
    %dma_wait3A_36 = arith.constant 0 : i32
    %dma_wait3A_37 = arith.constant 0 : i32
    %dma_wait3A_38 = tpu.memref_slice %arg2[%dma_wait3A_36, %dma_wait3A_37] : memref<10000x128xf32, #tpu.memory_space<hbm>> -> memref<10000x128xf32, #tpu.memory_space<hbm>>
    tpu.wait_indirect_dma semaphore(%arg12 : memref<!tpu.dma_semaphore, #tpu.memory_space<semaphore_mem>>) src(%dma_wait3A_38 : memref<10000x128xf32, #tpu.memory_space<hbm>>) dst(%arg10 : memref<128x128xf32, #tpu.memory_space<vmem>>)
    %dma_wait3A_39 = arith.constant 81 : i32
    %dma_wait3A_40 = arith.constant 0 : i32
    %dma_wait3A_41 = tpu.memref_slice %arg7[%dma_wait3A_39, %dma_wait3A_40] : memref<88x128xi32, #tpu.memory_space<vmem>> -> memref<1x128xi32, #tpu.memory_space<vmem>>
    %dma_wait3A_42 = tpu.memref_squeeze %dma_wait3A_41 : memref<1x128xi32, #tpu.memory_space<vmem>> -> memref<128xi32, #tpu.memory_space<vmem>>
    %dma_wait3A_43 = arith.constant 0 : i32
    %dma_wait3A_44 = arith.constant 0 : i32
    %dma_wait3A_45 = tpu.memref_slice %arg2[%dma_wait3A_43, %dma_wait3A_44] : memref<10000x128xf32, #tpu.memory_space<hbm>> -> memref<10000x128xf32, #tpu.memory_space<hbm>>
    tpu.wait_indirect_dma semaphore(%arg13 : memref<!tpu.dma_semaphore, #tpu.memory_space<semaphore_mem>>) src(%dma_wait3A_45 : memref<10000x128xf32, #tpu.memory_space<hbm>>) dst(%arg11 : memref<128x128xf32, #tpu.memory_space<vmem>>)
    %add3A_46 = arith.constant 80 : i32
    %add3A_47 = arith.addi %mul3A_2, %add3A_46 : i32
    %dma_wait3A_48 = arith.constant 0 : i32
    %dma_wait3A_49 = tpu.memref_slice %arg4[%add3A_47, %dma_wait3A_48] : memref<2568x128xi32, #tpu.memory_space<hbm>> -> memref<1x128xi32, #tpu.memory_space<hbm>>
    %dma_wait3A_50 = arith.constant 0 : i32
    %dma_wait3A_51 = tpu.memref_slice %arg4[%add3A_47, %dma_wait3A_50] : memref<2568x128xi32, #tpu.memory_space<hbm>> -> memref<1x128xi32, #tpu.memory_space<hbm>>
    tpu.wait_dma2 semaphore(%arg14 : memref<!tpu.dma_semaphore, #tpu.memory_space<semaphore_mem>>) src(%dma_wait3A_51 : memref<1x128xi32, #tpu.memory_space<hbm>>) dst(%arg8 : memref<1x128xi32, #tpu.memory_space<vmem>>)
    %add3A_52 = arith.constant 1 : i32
    %add3A_53 = arith.addi %add3A_47, %add3A_52 : i32
    %dma_wait3A_54 = arith.constant 0 : i32
    %dma_wait3A_55 = tpu.memref_slice %arg4[%add3A_53, %dma_wait3A_54] : memref<2568x128xi32, #tpu.memory_space<hbm>> -> memref<1x128xi32, #tpu.memory_space<hbm>>
    %dma_wait3A_56 = arith.constant 0 : i32
    %dma_wait3A_57 = tpu.memref_slice %arg4[%add3A_53, %dma_wait3A_56] : memref<2568x128xi32, #tpu.memory_space<hbm>> -> memref<1x128xi32, #tpu.memory_space<hbm>>
    tpu.wait_dma2 semaphore(%arg15 : memref<!tpu.dma_semaphore, #tpu.memory_space<semaphore_mem>>) src(%dma_wait3A_57 : memref<1x128xi32, #tpu.memory_space<hbm>>) dst(%arg9 : memref<1x128xi32, #tpu.memory_space<vmem>>)
    %barrier3A_58 = arith.constant 0 : index
    tpu.barrier barrier_id(%barrier3A_58)
    %mul3A_59 = arith.constant 632 : i32
    %mul3A_60 = arith.muli %arg1, %mul3A_59 : i32
    %mul3A_61 = arith.constant 632 : i32
    %mul3A_62 = arith.muli %arg1, %mul3A_61 : i32
    "tpu.region"() ({
      %run_scoped3A = tpu.sem_alloc : memref<!tpu.dma_semaphore, #tpu.memory_space<semaphore_mem>>
      %dma_start3A_63 = arith.constant 0 : i32
      %dma_start3A_64 = tpu.memref_slice %arg6[%arg0, %mul3A_62, %dma_start3A_63] : memref<2x10112x128xf32, #tpu.memory_space<hbm>> -> memref<1x632x128xf32, #tpu.memory_space<hbm>>
      %dma_start3A_65 = tpu.memref_squeeze %dma_start3A_64 : memref<1x632x128xf32, #tpu.memory_space<hbm>> -> memref<632x128xf32, #tpu.memory_space<hbm>>
      %dma_start3A_66 = arith.constant 0 : i32
      %dma_start3A_67 = tpu.memref_slice %arg16[%mul3A_60, %dma_start3A_66] : memref<10112x128xf32, #tpu.memory_space<vmem_shared>> -> memref<632x128xf32, #tpu.memory_space<vmem_shared>>
      tpu.enqueue_dma source(%dma_start3A_67 : memref<632x128xf32, #tpu.memory_space<vmem_shared>>) target(%dma_start3A_65 : memref<632x128xf32, #tpu.memory_space<hbm>>) target_semaphore(%run_scoped3A : memref<!tpu.dma_semaphore, #tpu.memory_space<semaphore_mem>>)
      %dma_wait3A_68 = arith.constant 0 : i32
      %dma_wait3A_69 = tpu.memref_slice %arg6[%arg0, %mul3A_62, %dma_wait3A_68] : memref<2x10112x128xf32, #tpu.memory_space<hbm>> -> memref<1x632x128xf32, #tpu.memory_space<hbm>>
      %dma_wait3A_70 = tpu.memref_squeeze %dma_wait3A_69 : memref<1x632x128xf32, #tpu.memory_space<hbm>> -> memref<632x128xf32, #tpu.memory_space<hbm>>
      %dma_wait3A_71 = arith.constant 0 : i32
      %dma_wait3A_72 = tpu.memref_slice %arg16[%mul3A_60, %dma_wait3A_71] : memref<10112x128xf32, #tpu.memory_space<vmem_shared>> -> memref<632x128xf32, #tpu.memory_space<vmem_shared>>
      tpu.wait_dma2 semaphore(%run_scoped3A : memref<!tpu.dma_semaphore, #tpu.memory_space<semaphore_mem>>) src(%dma_wait3A_72 : memref<632x128xf32, #tpu.memory_space<vmem_shared>>) dst(%dma_wait3A_70 : memref<632x128xf32, #tpu.memory_space<hbm>>)
      tpu.yield
    }) : () -> ()
    return
  }
}

#map = affine_map<(d0, d1) -> (0, 0)>
#map1 = affine_map<(d0, d1) -> (0, 0, 0)>
module attributes {stable_mosaic.version = 14 : i64} {
  func.func @_sc_agg(%arg0: i32, %arg1: i32, %arg2: memref<10000x128xf32, #tpu.memory_space<hbm>>, %arg3: memref<2568x128xi32, #tpu.memory_space<hbm>>, %arg4: memref<2568x128xi32, #tpu.memory_space<hbm>>, %arg5: memref<632x128xf32, #tpu.memory_space<hbm>>, %arg6: memref<2x10112x128xf32, #tpu.memory_space<hbm>>, %arg7: memref<88x128xi32, #tpu.memory_space<vmem>>, %arg8: memref<1x128xi32, #tpu.memory_space<vmem>>, %arg9: memref<1x128xi32, #tpu.memory_space<vmem>>, %arg10: memref<128x128xf32, #tpu.memory_space<vmem>>, %arg11: memref<128x128xf32, #tpu.memory_space<vmem>>, %arg12: memref<!tpu.dma_semaphore, #tpu.memory_space<semaphore_mem>>, %arg13: memref<!tpu.dma_semaphore, #tpu.memory_space<semaphore_mem>>, %arg14: memref<!tpu.dma_semaphore, #tpu.memory_space<semaphore_mem>>, %arg15: memref<!tpu.dma_semaphore, #tpu.memory_space<semaphore_mem>>, %arg16: memref<10112x128xf32, #tpu.memory_space<vmem_shared>>) attributes {dimension_semantics = [#tpu.dimension_semantics<core_parallel>, #tpu.dimension_semantics<subcore_parallel>], iteration_bounds = array<i64: 2, 16>, scalar_prefetch = 0 : i64, scratch_operands = 10 : i64, tpu.core_type = #tpu.core_type<sc_vector_subcore>, window_params = [{transform_indices = #map}, {transform_indices = #map}, {transform_indices = #map}, {transform_indices = #map}, {transform_indices = #map1}]} {
    %mul3A = arith.constant 16 : i32
    %mul3A_0 = arith.muli %arg0, %mul3A : i32
    %add3A = arith.addi %mul3A_0, %arg1 : i32
    %mul3A_1 = arith.constant 80 : i32
    %mul3A_2 = arith.muli %add3A, %mul3A_1 : i32
    %mul3A_3 = arith.constant 632 : i32
    %mul3A_4 = arith.muli %arg1, %mul3A_3 : i32
    "tpu.region"() ({
      %run_scoped3A = tpu.sem_alloc : memref<!tpu.dma_semaphore, #tpu.memory_space<semaphore_mem>>
      %dma_start3A_63 = arith.constant 0 : i32
      %dma_start3A_64 = tpu.memref_slice %arg16[%mul3A_4, %dma_start3A_63] : memref<10112x128xf32, #tpu.memory_space<vmem_shared>> -> memref<632x128xf32, #tpu.memory_space<vmem_shared>>
      tpu.enqueue_dma source(%arg5 : memref<632x128xf32, #tpu.memory_space<hbm>>) target(%dma_start3A_64 : memref<632x128xf32, #tpu.memory_space<vmem_shared>>) target_semaphore(%run_scoped3A : memref<!tpu.dma_semaphore, #tpu.memory_space<semaphore_mem>>)
      %dma_wait3A_65 = arith.constant 0 : i32
      %dma_wait3A_66 = tpu.memref_slice %arg16[%mul3A_4, %dma_wait3A_65] : memref<10112x128xf32, #tpu.memory_space<vmem_shared>> -> memref<632x128xf32, #tpu.memory_space<vmem_shared>>
      tpu.wait_dma2 semaphore(%run_scoped3A : memref<!tpu.dma_semaphore, #tpu.memory_space<semaphore_mem>>) src(%arg5 : memref<632x128xf32, #tpu.memory_space<hbm>>) dst(%dma_wait3A_66 : memref<632x128xf32, #tpu.memory_space<vmem_shared>>)
      tpu.yield
    }) : () -> ()
    "tpu.region"() ({
      %run_scoped3A = tpu.sem_alloc : memref<!tpu.dma_semaphore, #tpu.memory_space<semaphore_mem>>
      %dma_start3A_63 = arith.constant 0 : i32
      %dma_start3A_64 = tpu.memref_slice %arg3[%mul3A_2, %dma_start3A_63] : memref<2568x128xi32, #tpu.memory_space<hbm>> -> memref<88x128xi32, #tpu.memory_space<hbm>>
      %dma_start3A_65 = arith.constant 0 : i32
      %dma_start3A_66 = tpu.memref_slice %arg3[%mul3A_2, %dma_start3A_65] : memref<2568x128xi32, #tpu.memory_space<hbm>> -> memref<88x128xi32, #tpu.memory_space<hbm>>
      tpu.enqueue_dma source(%dma_start3A_66 : memref<88x128xi32, #tpu.memory_space<hbm>>) target(%arg7 : memref<88x128xi32, #tpu.memory_space<vmem>>) target_semaphore(%run_scoped3A : memref<!tpu.dma_semaphore, #tpu.memory_space<semaphore_mem>>)
      %dma_wait3A_67 = arith.constant 0 : i32
      %dma_wait3A_68 = tpu.memref_slice %arg3[%mul3A_2, %dma_wait3A_67] : memref<2568x128xi32, #tpu.memory_space<hbm>> -> memref<88x128xi32, #tpu.memory_space<hbm>>
      %dma_wait3A_69 = arith.constant 0 : i32
      %dma_wait3A_70 = tpu.memref_slice %arg3[%mul3A_2, %dma_wait3A_69] : memref<2568x128xi32, #tpu.memory_space<hbm>> -> memref<88x128xi32, #tpu.memory_space<hbm>>
      tpu.wait_dma2 semaphore(%run_scoped3A : memref<!tpu.dma_semaphore, #tpu.memory_space<semaphore_mem>>) src(%dma_wait3A_70 : memref<88x128xi32, #tpu.memory_space<hbm>>) dst(%arg7 : memref<88x128xi32, #tpu.memory_space<vmem>>)
      tpu.yield
    }) : () -> ()
    %dma_start3A = arith.constant 0 : i32
    %dma_start3A_5 = tpu.memref_slice %arg4[%mul3A_2, %dma_start3A] : memref<2568x128xi32, #tpu.memory_space<hbm>> -> memref<1x128xi32, #tpu.memory_space<hbm>>
    %dma_start3A_6 = arith.constant 0 : i32
    %dma_start3A_7 = tpu.memref_slice %arg4[%mul3A_2, %dma_start3A_6] : memref<2568x128xi32, #tpu.memory_space<hbm>> -> memref<1x128xi32, #tpu.memory_space<hbm>>
    tpu.enqueue_dma source(%dma_start3A_7 : memref<1x128xi32, #tpu.memory_space<hbm>>) target(%arg8 : memref<1x128xi32, #tpu.memory_space<vmem>>) target_semaphore(%arg14 : memref<!tpu.dma_semaphore, #tpu.memory_space<semaphore_mem>>)
    %add3A_8 = arith.constant 1 : i32
    %add3A_9 = arith.addi %mul3A_2, %add3A_8 : i32
    %dma_start3A_10 = arith.constant 0 : i32
    %dma_start3A_11 = tpu.memref_slice %arg4[%add3A_9, %dma_start3A_10] : memref<2568x128xi32, #tpu.memory_space<hbm>> -> memref<1x128xi32, #tpu.memory_space<hbm>>
    %dma_start3A_12 = arith.constant 0 : i32
    %dma_start3A_13 = tpu.memref_slice %arg4[%add3A_9, %dma_start3A_12] : memref<2568x128xi32, #tpu.memory_space<hbm>> -> memref<1x128xi32, #tpu.memory_space<hbm>>
    tpu.enqueue_dma source(%dma_start3A_13 : memref<1x128xi32, #tpu.memory_space<hbm>>) target(%arg9 : memref<1x128xi32, #tpu.memory_space<vmem>>) target_semaphore(%arg15 : memref<!tpu.dma_semaphore, #tpu.memory_space<semaphore_mem>>)
    %barrier3A = arith.constant 0 : index
    tpu.barrier barrier_id(%barrier3A)
    %dma_start3A_14 = arith.constant 0 : i32
    %dma_start3A_15 = arith.constant 0 : i32
    %dma_start3A_16 = tpu.memref_slice %arg7[%dma_start3A_14, %dma_start3A_15] : memref<88x128xi32, #tpu.memory_space<vmem>> -> memref<1x128xi32, #tpu.memory_space<vmem>>
    %dma_start3A_17 = tpu.memref_squeeze %dma_start3A_16 : memref<1x128xi32, #tpu.memory_space<vmem>> -> memref<128xi32, #tpu.memory_space<vmem>>
    %dma_start3A_18 = arith.constant 0 : i32
    %dma_start3A_19 = arith.constant 0 : i32
    %dma_start3A_20 = tpu.memref_slice %arg2[%dma_start3A_18, %dma_start3A_19] : memref<10000x128xf32, #tpu.memory_space<hbm>> -> memref<10000x128xf32, #tpu.memory_space<hbm>>
    tpu.enqueue_indirect_dma source(%dma_start3A_20 : memref<10000x128xf32, #tpu.memory_space<hbm>>) target(%arg10 : memref<128x128xf32, #tpu.memory_space<vmem>>) offsets(%dma_start3A_17 : memref<128xi32, #tpu.memory_space<vmem>>) semaphore(%arg12 : memref<!tpu.dma_semaphore, #tpu.memory_space<semaphore_mem>>)
    %dma_start3A_21 = arith.constant 1 : i32
    %dma_start3A_22 = arith.constant 0 : i32
    %dma_start3A_23 = tpu.memref_slice %arg7[%dma_start3A_21, %dma_start3A_22] : memref<88x128xi32, #tpu.memory_space<vmem>> -> memref<1x128xi32, #tpu.memory_space<vmem>>
    %dma_start3A_24 = tpu.memref_squeeze %dma_start3A_23 : memref<1x128xi32, #tpu.memory_space<vmem>> -> memref<128xi32, #tpu.memory_space<vmem>>
    %dma_start3A_25 = arith.constant 0 : i32
    %dma_start3A_26 = arith.constant 0 : i32
    %dma_start3A_27 = tpu.memref_slice %arg2[%dma_start3A_25, %dma_start3A_26] : memref<10000x128xf32, #tpu.memory_space<hbm>> -> memref<10000x128xf32, #tpu.memory_space<hbm>>
    tpu.enqueue_indirect_dma source(%dma_start3A_27 : memref<10000x128xf32, #tpu.memory_space<hbm>>) target(%arg11 : memref<128x128xf32, #tpu.memory_space<vmem>>) offsets(%dma_start3A_24 : memref<128xi32, #tpu.memory_space<vmem>>) semaphore(%arg13 : memref<!tpu.dma_semaphore, #tpu.memory_space<semaphore_mem>>)
    %scan3A = arith.constant 0 : i32
    %scan3A_28 = arith.constant 0 : i32
    %scan3A_29 = arith.constant 40 : i32
    %scan3A_30 = arith.addi %scan3A_28, %scan3A_29 : i32
    %scan3A_31 = arith.constant 1 : i32
    scf.for %scan3A_63 = %scan3A_28 to %scan3A_30 step %scan3A_31  : i32 {
      %mul3A_64 = arith.constant 2 : i32
      %mul3A_65 = arith.muli %scan3A_63, %mul3A_64 : i32
      %add3A_66 = arith.addi %mul3A_2, %mul3A_65 : i32
      %dma_wait3A_67 = arith.constant 0 : i32
      %dma_wait3A_68 = tpu.memref_slice %arg7[%mul3A_65, %dma_wait3A_67] : memref<88x128xi32, #tpu.memory_space<vmem>> -> memref<1x128xi32, #tpu.memory_space<vmem>>
      %dma_wait3A_69 = tpu.memref_squeeze %dma_wait3A_68 : memref<1x128xi32, #tpu.memory_space<vmem>> -> memref<128xi32, #tpu.memory_space<vmem>>
      %dma_wait3A_70 = arith.constant 0 : i32
      %dma_wait3A_71 = arith.constant 0 : i32
      %dma_wait3A_72 = tpu.memref_slice %arg2[%dma_wait3A_70, %dma_wait3A_71] : memref<10000x128xf32, #tpu.memory_space<hbm>> -> memref<10000x128xf32, #tpu.memory_space<hbm>>
      tpu.wait_indirect_dma semaphore(%arg12 : memref<!tpu.dma_semaphore, #tpu.memory_space<semaphore_mem>>) src(%dma_wait3A_72 : memref<10000x128xf32, #tpu.memory_space<hbm>>) dst(%arg10 : memref<128x128xf32, #tpu.memory_space<vmem>>)
      %dma_wait3A_73 = arith.constant 0 : i32
      %dma_wait3A_74 = tpu.memref_slice %arg4[%add3A_66, %dma_wait3A_73] : memref<2568x128xi32, #tpu.memory_space<hbm>> -> memref<1x128xi32, #tpu.memory_space<hbm>>
      %dma_wait3A_75 = arith.constant 0 : i32
      %dma_wait3A_76 = tpu.memref_slice %arg4[%add3A_66, %dma_wait3A_75] : memref<2568x128xi32, #tpu.memory_space<hbm>> -> memref<1x128xi32, #tpu.memory_space<hbm>>
      tpu.wait_dma2 semaphore(%arg14 : memref<!tpu.dma_semaphore, #tpu.memory_space<semaphore_mem>>) src(%dma_wait3A_76 : memref<1x128xi32, #tpu.memory_space<hbm>>) dst(%arg8 : memref<1x128xi32, #tpu.memory_space<vmem>>)
      %run_scoped3A = arith.constant 0 : i32
      "tpu.region"() ({
        %run_scoped3A_120 = tpu.sem_alloc : memref<!tpu.dma_semaphore, #tpu.memory_space<semaphore_mem>>
        %dma_start3A_121 = arith.constant 0 : i32
        %dma_start3A_122 = tpu.memref_slice %arg8[%run_scoped3A, %dma_start3A_121] : memref<1x128xi32, #tpu.memory_space<vmem>> -> memref<1x128xi32, #tpu.memory_space<vmem>>
        %dma_start3A_123 = tpu.memref_squeeze %dma_start3A_122 : memref<1x128xi32, #tpu.memory_space<vmem>> -> memref<128xi32, #tpu.memory_space<vmem>>
        %dma_start3A_124 = arith.constant 0 : i32
        %dma_start3A_125 = arith.constant 0 : i32
        %dma_start3A_126 = tpu.memref_slice %arg16[%dma_start3A_124, %dma_start3A_125] : memref<10112x128xf32, #tpu.memory_space<vmem_shared>> -> memref<10112x128xf32, #tpu.memory_space<vmem_shared>>
        tpu.enqueue_indirect_dma source(%arg10 : memref<128x128xf32, #tpu.memory_space<vmem>>) target(%dma_start3A_126 : memref<10112x128xf32, #tpu.memory_space<vmem_shared>>) offsets(%dma_start3A_123 : memref<128xi32, #tpu.memory_space<vmem>>) semaphore(%run_scoped3A_120 : memref<!tpu.dma_semaphore, #tpu.memory_space<semaphore_mem>>) {add = true}
        %dma_wait3A_127 = arith.constant 0 : i32
        %dma_wait3A_128 = tpu.memref_slice %arg8[%run_scoped3A, %dma_wait3A_127] : memref<1x128xi32, #tpu.memory_space<vmem>> -> memref<1x128xi32, #tpu.memory_space<vmem>>
        %dma_wait3A_129 = tpu.memref_squeeze %dma_wait3A_128 : memref<1x128xi32, #tpu.memory_space<vmem>> -> memref<128xi32, #tpu.memory_space<vmem>>
        %dma_wait3A_130 = arith.constant 0 : i32
        %dma_wait3A_131 = arith.constant 0 : i32
        %dma_wait3A_132 = tpu.memref_slice %arg16[%dma_wait3A_130, %dma_wait3A_131] : memref<10112x128xf32, #tpu.memory_space<vmem_shared>> -> memref<10112x128xf32, #tpu.memory_space<vmem_shared>>
        tpu.wait_indirect_dma semaphore(%run_scoped3A_120 : memref<!tpu.dma_semaphore, #tpu.memory_space<semaphore_mem>>) src(%arg10 : memref<128x128xf32, #tpu.memory_space<vmem>>) dst(%dma_wait3A_132 : memref<10112x128xf32, #tpu.memory_space<vmem_shared>>)
        tpu.yield
      }) : () -> ()
      %add3A_77 = arith.constant 2 : i32
      %add3A_78 = arith.addi %mul3A_65, %add3A_77 : i32
      %dma_start3A_79 = arith.constant 0 : i32
      %dma_start3A_80 = tpu.memref_slice %arg7[%add3A_78, %dma_start3A_79] : memref<88x128xi32, #tpu.memory_space<vmem>> -> memref<1x128xi32, #tpu.memory_space<vmem>>
      %dma_start3A_81 = tpu.memref_squeeze %dma_start3A_80 : memref<1x128xi32, #tpu.memory_space<vmem>> -> memref<128xi32, #tpu.memory_space<vmem>>
      %dma_start3A_82 = arith.constant 0 : i32
      %dma_start3A_83 = arith.constant 0 : i32
      %dma_start3A_84 = tpu.memref_slice %arg2[%dma_start3A_82, %dma_start3A_83] : memref<10000x128xf32, #tpu.memory_space<hbm>> -> memref<10000x128xf32, #tpu.memory_space<hbm>>
      tpu.enqueue_indirect_dma source(%dma_start3A_84 : memref<10000x128xf32, #tpu.memory_space<hbm>>) target(%arg10 : memref<128x128xf32, #tpu.memory_space<vmem>>) offsets(%dma_start3A_81 : memref<128xi32, #tpu.memory_space<vmem>>) semaphore(%arg12 : memref<!tpu.dma_semaphore, #tpu.memory_space<semaphore_mem>>)
      %add3A_85 = arith.constant 2 : i32
      %add3A_86 = arith.addi %add3A_66, %add3A_85 : i32
      %dma_start3A_87 = arith.constant 0 : i32
      %dma_start3A_88 = tpu.memref_slice %arg4[%add3A_86, %dma_start3A_87] : memref<2568x128xi32, #tpu.memory_space<hbm>> -> memref<1x128xi32, #tpu.memory_space<hbm>>
      %dma_start3A_89 = arith.constant 0 : i32
      %dma_start3A_90 = tpu.memref_slice %arg4[%add3A_86, %dma_start3A_89] : memref<2568x128xi32, #tpu.memory_space<hbm>> -> memref<1x128xi32, #tpu.memory_space<hbm>>
      tpu.enqueue_dma source(%dma_start3A_90 : memref<1x128xi32, #tpu.memory_space<hbm>>) target(%arg8 : memref<1x128xi32, #tpu.memory_space<vmem>>) target_semaphore(%arg14 : memref<!tpu.dma_semaphore, #tpu.memory_space<semaphore_mem>>)
      %add3A_91 = arith.constant 1 : i32
      %add3A_92 = arith.addi %mul3A_65, %add3A_91 : i32
      %dma_wait3A_93 = arith.constant 0 : i32
      %dma_wait3A_94 = tpu.memref_slice %arg7[%add3A_92, %dma_wait3A_93] : memref<88x128xi32, #tpu.memory_space<vmem>> -> memref<1x128xi32, #tpu.memory_space<vmem>>
      %dma_wait3A_95 = tpu.memref_squeeze %dma_wait3A_94 : memref<1x128xi32, #tpu.memory_space<vmem>> -> memref<128xi32, #tpu.memory_space<vmem>>
      %dma_wait3A_96 = arith.constant 0 : i32
      %dma_wait3A_97 = arith.constant 0 : i32
      %dma_wait3A_98 = tpu.memref_slice %arg2[%dma_wait3A_96, %dma_wait3A_97] : memref<10000x128xf32, #tpu.memory_space<hbm>> -> memref<10000x128xf32, #tpu.memory_space<hbm>>
      tpu.wait_indirect_dma semaphore(%arg13 : memref<!tpu.dma_semaphore, #tpu.memory_space<semaphore_mem>>) src(%dma_wait3A_98 : memref<10000x128xf32, #tpu.memory_space<hbm>>) dst(%arg11 : memref<128x128xf32, #tpu.memory_space<vmem>>)
      %add3A_99 = arith.constant 1 : i32
      %add3A_100 = arith.addi %add3A_66, %add3A_99 : i32
      %dma_wait3A_101 = arith.constant 0 : i32
      %dma_wait3A_102 = tpu.memref_slice %arg4[%add3A_100, %dma_wait3A_101] : memref<2568x128xi32, #tpu.memory_space<hbm>> -> memref<1x128xi32, #tpu.memory_space<hbm>>
      %dma_wait3A_103 = arith.constant 0 : i32
      %dma_wait3A_104 = tpu.memref_slice %arg4[%add3A_100, %dma_wait3A_103] : memref<2568x128xi32, #tpu.memory_space<hbm>> -> memref<1x128xi32, #tpu.memory_space<hbm>>
      tpu.wait_dma2 semaphore(%arg15 : memref<!tpu.dma_semaphore, #tpu.memory_space<semaphore_mem>>) src(%dma_wait3A_104 : memref<1x128xi32, #tpu.memory_space<hbm>>) dst(%arg9 : memref<1x128xi32, #tpu.memory_space<vmem>>)
      %run_scoped3A_105 = arith.constant 0 : i32
      "tpu.region"() ({
        %run_scoped3A_120 = tpu.sem_alloc : memref<!tpu.dma_semaphore, #tpu.memory_space<semaphore_mem>>
        %dma_start3A_121 = arith.constant 0 : i32
        %dma_start3A_122 = tpu.memref_slice %arg9[%run_scoped3A_105, %dma_start3A_121] : memref<1x128xi32, #tpu.memory_space<vmem>> -> memref<1x128xi32, #tpu.memory_space<vmem>>
        %dma_start3A_123 = tpu.memref_squeeze %dma_start3A_122 : memref<1x128xi32, #tpu.memory_space<vmem>> -> memref<128xi32, #tpu.memory_space<vmem>>
        %dma_start3A_124 = arith.constant 0 : i32
        %dma_start3A_125 = arith.constant 0 : i32
        %dma_start3A_126 = tpu.memref_slice %arg16[%dma_start3A_124, %dma_start3A_125] : memref<10112x128xf32, #tpu.memory_space<vmem_shared>> -> memref<10112x128xf32, #tpu.memory_space<vmem_shared>>
        tpu.enqueue_indirect_dma source(%arg11 : memref<128x128xf32, #tpu.memory_space<vmem>>) target(%dma_start3A_126 : memref<10112x128xf32, #tpu.memory_space<vmem_shared>>) offsets(%dma_start3A_123 : memref<128xi32, #tpu.memory_space<vmem>>) semaphore(%run_scoped3A_120 : memref<!tpu.dma_semaphore, #tpu.memory_space<semaphore_mem>>) {add = true}
        %dma_wait3A_127 = arith.constant 0 : i32
        %dma_wait3A_128 = tpu.memref_slice %arg9[%run_scoped3A_105, %dma_wait3A_127] : memref<1x128xi32, #tpu.memory_space<vmem>> -> memref<1x128xi32, #tpu.memory_space<vmem>>
        %dma_wait3A_129 = tpu.memref_squeeze %dma_wait3A_128 : memref<1x128xi32, #tpu.memory_space<vmem>> -> memref<128xi32, #tpu.memory_space<vmem>>
        %dma_wait3A_130 = arith.constant 0 : i32
        %dma_wait3A_131 = arith.constant 0 : i32
        %dma_wait3A_132 = tpu.memref_slice %arg16[%dma_wait3A_130, %dma_wait3A_131] : memref<10112x128xf32, #tpu.memory_space<vmem_shared>> -> memref<10112x128xf32, #tpu.memory_space<vmem_shared>>
        tpu.wait_indirect_dma semaphore(%run_scoped3A_120 : memref<!tpu.dma_semaphore, #tpu.memory_space<semaphore_mem>>) src(%arg11 : memref<128x128xf32, #tpu.memory_space<vmem>>) dst(%dma_wait3A_132 : memref<10112x128xf32, #tpu.memory_space<vmem_shared>>)
        tpu.yield
      }) : () -> ()
      %add3A_106 = arith.constant 3 : i32
      %add3A_107 = arith.addi %mul3A_65, %add3A_106 : i32
      %dma_start3A_108 = arith.constant 0 : i32
      %dma_start3A_109 = tpu.memref_slice %arg7[%add3A_107, %dma_start3A_108] : memref<88x128xi32, #tpu.memory_space<vmem>> -> memref<1x128xi32, #tpu.memory_space<vmem>>
      %dma_start3A_110 = tpu.memref_squeeze %dma_start3A_109 : memref<1x128xi32, #tpu.memory_space<vmem>> -> memref<128xi32, #tpu.memory_space<vmem>>
      %dma_start3A_111 = arith.constant 0 : i32
      %dma_start3A_112 = arith.constant 0 : i32
      %dma_start3A_113 = tpu.memref_slice %arg2[%dma_start3A_111, %dma_start3A_112] : memref<10000x128xf32, #tpu.memory_space<hbm>> -> memref<10000x128xf32, #tpu.memory_space<hbm>>
      tpu.enqueue_indirect_dma source(%dma_start3A_113 : memref<10000x128xf32, #tpu.memory_space<hbm>>) target(%arg11 : memref<128x128xf32, #tpu.memory_space<vmem>>) offsets(%dma_start3A_110 : memref<128xi32, #tpu.memory_space<vmem>>) semaphore(%arg13 : memref<!tpu.dma_semaphore, #tpu.memory_space<semaphore_mem>>)
      %add3A_114 = arith.constant 3 : i32
      %add3A_115 = arith.addi %add3A_66, %add3A_114 : i32
      %dma_start3A_116 = arith.constant 0 : i32
      %dma_start3A_117 = tpu.memref_slice %arg4[%add3A_115, %dma_start3A_116] : memref<2568x128xi32, #tpu.memory_space<hbm>> -> memref<1x128xi32, #tpu.memory_space<hbm>>
      %dma_start3A_118 = arith.constant 0 : i32
      %dma_start3A_119 = tpu.memref_slice %arg4[%add3A_115, %dma_start3A_118] : memref<2568x128xi32, #tpu.memory_space<hbm>> -> memref<1x128xi32, #tpu.memory_space<hbm>>
      tpu.enqueue_dma source(%dma_start3A_119 : memref<1x128xi32, #tpu.memory_space<hbm>>) target(%arg9 : memref<1x128xi32, #tpu.memory_space<vmem>>) target_semaphore(%arg15 : memref<!tpu.dma_semaphore, #tpu.memory_space<semaphore_mem>>)
    }
    %scan3A_32 = arith.constant 40 : i32
    %dma_wait3A = arith.constant 80 : i32
    %dma_wait3A_33 = arith.constant 0 : i32
    %dma_wait3A_34 = tpu.memref_slice %arg7[%dma_wait3A, %dma_wait3A_33] : memref<88x128xi32, #tpu.memory_space<vmem>> -> memref<1x128xi32, #tpu.memory_space<vmem>>
    %dma_wait3A_35 = tpu.memref_squeeze %dma_wait3A_34 : memref<1x128xi32, #tpu.memory_space<vmem>> -> memref<128xi32, #tpu.memory_space<vmem>>
    %dma_wait3A_36 = arith.constant 0 : i32
    %dma_wait3A_37 = arith.constant 0 : i32
    %dma_wait3A_38 = tpu.memref_slice %arg2[%dma_wait3A_36, %dma_wait3A_37] : memref<10000x128xf32, #tpu.memory_space<hbm>> -> memref<10000x128xf32, #tpu.memory_space<hbm>>
    tpu.wait_indirect_dma semaphore(%arg12 : memref<!tpu.dma_semaphore, #tpu.memory_space<semaphore_mem>>) src(%dma_wait3A_38 : memref<10000x128xf32, #tpu.memory_space<hbm>>) dst(%arg10 : memref<128x128xf32, #tpu.memory_space<vmem>>)
    %dma_wait3A_39 = arith.constant 81 : i32
    %dma_wait3A_40 = arith.constant 0 : i32
    %dma_wait3A_41 = tpu.memref_slice %arg7[%dma_wait3A_39, %dma_wait3A_40] : memref<88x128xi32, #tpu.memory_space<vmem>> -> memref<1x128xi32, #tpu.memory_space<vmem>>
    %dma_wait3A_42 = tpu.memref_squeeze %dma_wait3A_41 : memref<1x128xi32, #tpu.memory_space<vmem>> -> memref<128xi32, #tpu.memory_space<vmem>>
    %dma_wait3A_43 = arith.constant 0 : i32
    %dma_wait3A_44 = arith.constant 0 : i32
    %dma_wait3A_45 = tpu.memref_slice %arg2[%dma_wait3A_43, %dma_wait3A_44] : memref<10000x128xf32, #tpu.memory_space<hbm>> -> memref<10000x128xf32, #tpu.memory_space<hbm>>
    tpu.wait_indirect_dma semaphore(%arg13 : memref<!tpu.dma_semaphore, #tpu.memory_space<semaphore_mem>>) src(%dma_wait3A_45 : memref<10000x128xf32, #tpu.memory_space<hbm>>) dst(%arg11 : memref<128x128xf32, #tpu.memory_space<vmem>>)
    %add3A_46 = arith.constant 80 : i32
    %add3A_47 = arith.addi %mul3A_2, %add3A_46 : i32
    %dma_wait3A_48 = arith.constant 0 : i32
    %dma_wait3A_49 = tpu.memref_slice %arg4[%add3A_47, %dma_wait3A_48] : memref<2568x128xi32, #tpu.memory_space<hbm>> -> memref<1x128xi32, #tpu.memory_space<hbm>>
    %dma_wait3A_50 = arith.constant 0 : i32
    %dma_wait3A_51 = tpu.memref_slice %arg4[%add3A_47, %dma_wait3A_50] : memref<2568x128xi32, #tpu.memory_space<hbm>> -> memref<1x128xi32, #tpu.memory_space<hbm>>
    tpu.wait_dma2 semaphore(%arg14 : memref<!tpu.dma_semaphore, #tpu.memory_space<semaphore_mem>>) src(%dma_wait3A_51 : memref<1x128xi32, #tpu.memory_space<hbm>>) dst(%arg8 : memref<1x128xi32, #tpu.memory_space<vmem>>)
    %add3A_52 = arith.constant 1 : i32
    %add3A_53 = arith.addi %add3A_47, %add3A_52 : i32
    %dma_wait3A_54 = arith.constant 0 : i32
    %dma_wait3A_55 = tpu.memref_slice %arg4[%add3A_53, %dma_wait3A_54] : memref<2568x128xi32, #tpu.memory_space<hbm>> -> memref<1x128xi32, #tpu.memory_space<hbm>>
    %dma_wait3A_56 = arith.constant 0 : i32
    %dma_wait3A_57 = tpu.memref_slice %arg4[%add3A_53, %dma_wait3A_56] : memref<2568x128xi32, #tpu.memory_space<hbm>> -> memref<1x128xi32, #tpu.memory_space<hbm>>
    tpu.wait_dma2 semaphore(%arg15 : memref<!tpu.dma_semaphore, #tpu.memory_space<semaphore_mem>>) src(%dma_wait3A_57 : memref<1x128xi32, #tpu.memory_space<hbm>>) dst(%arg9 : memref<1x128xi32, #tpu.memory_space<vmem>>)
    %barrier3A_58 = arith.constant 0 : index
    tpu.barrier barrier_id(%barrier3A_58)
    %mul3A_59 = arith.constant 632 : i32
    %mul3A_60 = arith.muli %arg1, %mul3A_59 : i32
    %mul3A_61 = arith.constant 632 : i32
    %mul3A_62 = arith.muli %arg1, %mul3A_61 : i32
    "tpu.region"() ({
      %run_scoped3A = tpu.sem_alloc : memref<!tpu.dma_semaphore, #tpu.memory_space<semaphore_mem>>
      %dma_start3A_63 = arith.constant 0 : i32
      %dma_start3A_64 = tpu.memref_slice %arg6[%arg0, %mul3A_62, %dma_start3A_63] : memref<2x10112x128xf32, #tpu.memory_space<hbm>> -> memref<1x632x128xf32, #tpu.memory_space<hbm>>
      %dma_start3A_65 = tpu.memref_squeeze %dma_start3A_64 : memref<1x632x128xf32, #tpu.memory_space<hbm>> -> memref<632x128xf32, #tpu.memory_space<hbm>>
      %dma_start3A_66 = arith.constant 0 : i32
      %dma_start3A_67 = tpu.memref_slice %arg16[%mul3A_60, %dma_start3A_66] : memref<10112x128xf32, #tpu.memory_space<vmem_shared>> -> memref<632x128xf32, #tpu.memory_space<vmem_shared>>
      tpu.enqueue_dma source(%dma_start3A_67 : memref<632x128xf32, #tpu.memory_space<vmem_shared>>) target(%dma_start3A_65 : memref<632x128xf32, #tpu.memory_space<hbm>>) target_semaphore(%run_scoped3A : memref<!tpu.dma_semaphore, #tpu.memory_space<semaphore_mem>>)
      %dma_wait3A_68 = arith.constant 0 : i32
      %dma_wait3A_69 = tpu.memref_slice %arg6[%arg0, %mul3A_62, %dma_wait3A_68] : memref<2x10112x128xf32, #tpu.memory_space<hbm>> -> memref<1x632x128xf32, #tpu.memory_space<hbm>>
      %dma_wait3A_70 = tpu.memref_squeeze %dma_wait3A_69 : memref<1x632x128xf32, #tpu.memory_space<hbm>> -> memref<632x128xf32, #tpu.memory_space<hbm>>
      %dma_wait3A_71 = arith.constant 0 : i32
      %dma_wait3A_72 = tpu.memref_slice %arg16[%mul3A_60, %dma_wait3A_71] : memref<10112x128xf32, #tpu.memory_space<vmem_shared>> -> memref<632x128xf32, #tpu.memory_space<vmem_shared>>
      tpu.wait_dma2 semaphore(%run_scoped3A : memref<!tpu.dma_semaphore, #tpu.memory_space<semaphore_mem>>) src(%dma_wait3A_72 : memref<632x128xf32, #tpu.memory_space<vmem_shared>>) dst(%dma_wait3A_70 : memref<632x128xf32, #tpu.memory_space<hbm>>)
      tpu.yield
    }) : () -> ()
    return
  }
}

#map = affine_map<(d0, d1) -> (0)>
#map1 = affine_map<(d0, d1) -> (0, 0)>
module attributes {stable_mosaic.version = 14 : i64} {
  func.func @_sc_degree(%arg0: i32, %arg1: i32, %arg2: memref<328704xi32, #tpu.memory_space<hbm>>, %arg3: memref<16384xf32, #tpu.memory_space<hbm>>, %arg4: memref<32x16384xf32, #tpu.memory_space<hbm>>, %arg5: memref<10240xi32, #tpu.memory_space<vmem>>, %arg6: memref<16384xf32, #tpu.memory_space<vmem>>) attributes {dimension_semantics = [#tpu.dimension_semantics<core_parallel>, #tpu.dimension_semantics<subcore_parallel>], iteration_bounds = array<i64: 2, 16>, scalar_prefetch = 0 : i64, scratch_operands = 2 : i64, tpu.core_type = #tpu.core_type<sc_vector_subcore>, window_params = [{transform_indices = #map}, {transform_indices = #map}, {transform_indices = #map1}]} {
    %mul3A = arith.constant 16 : i32
    %mul3A_0 = arith.muli %arg0, %mul3A : i32
    %add3A = arith.addi %mul3A_0, %arg1 : i32
    "tpu.region"() ({
      %run_scoped3A = tpu.sem_alloc : memref<!tpu.dma_semaphore, #tpu.memory_space<semaphore_mem>>
      tpu.enqueue_dma source(%arg3 : memref<16384xf32, #tpu.memory_space<hbm>>) target(%arg6 : memref<16384xf32, #tpu.memory_space<vmem>>) target_semaphore(%run_scoped3A : memref<!tpu.dma_semaphore, #tpu.memory_space<semaphore_mem>>)
      tpu.wait_dma2 semaphore(%run_scoped3A : memref<!tpu.dma_semaphore, #tpu.memory_space<semaphore_mem>>) src(%arg3 : memref<16384xf32, #tpu.memory_space<hbm>>) dst(%arg6 : memref<16384xf32, #tpu.memory_space<vmem>>)
      tpu.yield
    }) : () -> ()
    %mul3A_1 = arith.constant 80 : i32
    %mul3A_2 = arith.muli %add3A, %mul3A_1 : i32
    %mul3A_3 = arith.constant 128 : i32
    %mul3A_4 = arith.muli %mul3A_2, %mul3A_3 : i32
    "tpu.region"() ({
      %run_scoped3A = tpu.sem_alloc : memref<!tpu.dma_semaphore, #tpu.memory_space<semaphore_mem>>
      %dma_start3A = tpu.memref_slice %arg2[%mul3A_4] : memref<328704xi32, #tpu.memory_space<hbm>> -> memref<10240xi32, #tpu.memory_space<hbm>>
      %dma_start3A_11 = tpu.memref_slice %arg2[%mul3A_4] : memref<328704xi32, #tpu.memory_space<hbm>> -> memref<10240xi32, #tpu.memory_space<hbm>>
      tpu.enqueue_dma source(%dma_start3A_11 : memref<10240xi32, #tpu.memory_space<hbm>>) target(%arg5 : memref<10240xi32, #tpu.memory_space<vmem>>) target_semaphore(%run_scoped3A : memref<!tpu.dma_semaphore, #tpu.memory_space<semaphore_mem>>)
      %dma_wait3A = tpu.memref_slice %arg2[%mul3A_4] : memref<328704xi32, #tpu.memory_space<hbm>> -> memref<10240xi32, #tpu.memory_space<hbm>>
      %dma_wait3A_12 = tpu.memref_slice %arg2[%mul3A_4] : memref<328704xi32, #tpu.memory_space<hbm>> -> memref<10240xi32, #tpu.memory_space<hbm>>
      tpu.wait_dma2 semaphore(%run_scoped3A : memref<!tpu.dma_semaphore, #tpu.memory_space<semaphore_mem>>) src(%dma_wait3A_12 : memref<10240xi32, #tpu.memory_space<hbm>>) dst(%arg5 : memref<10240xi32, #tpu.memory_space<vmem>>)
      tpu.yield
    }) : () -> ()
    %broadcast_in_dim3A = arith.constant 1.000000e+00 : f32
    %broadcast_in_dim3A_5 = vector.broadcast %broadcast_in_dim3A : f32 to vector<16xf32>
    %scan3A = arith.constant 0 : i32
    %scan3A_6 = arith.constant 0 : i32
    %scan3A_7 = arith.constant 640 : i32
    %scan3A_8 = arith.addi %scan3A_6, %scan3A_7 : i32
    %scan3A_9 = arith.constant 1 : i32
    scf.for %scan3A_11 = %scan3A_6 to %scan3A_8 step %scan3A_9  : i32 {
      %mul3A_12 = arith.constant 16 : i32
      %mul3A_13 = arith.muli %scan3A_11, %mul3A_12 : i32
      %get3A = arith.index_cast %mul3A_13 : i32 to index
      %get3A_14 = tpu.vector_load %arg5[%get3A] {strides = array<i32>} : memref<10240xi32, #tpu.memory_space<vmem>>, vector<16xi32>,
      tpu.vector_store_idx %arg6[%get3A_14], %broadcast_in_dim3A_5 {add = true} : memref<16384xf32, #tpu.memory_space<vmem>>[vector<16xi32>], vector<16xf32>,
    }
    %scan3A_10 = arith.constant 640 : i32
    "tpu.region"() ({
      %run_scoped3A = tpu.sem_alloc : memref<!tpu.dma_semaphore, #tpu.memory_space<semaphore_mem>>
      %dma_start3A = arith.constant 0 : i32
      %dma_start3A_11 = tpu.memref_slice %arg4[%add3A, %dma_start3A] : memref<32x16384xf32, #tpu.memory_space<hbm>> -> memref<1x16384xf32, #tpu.memory_space<hbm>>
      %dma_start3A_12 = tpu.memref_squeeze %dma_start3A_11 : memref<1x16384xf32, #tpu.memory_space<hbm>> -> memref<16384xf32, #tpu.memory_space<hbm>>
      %dma_start3A_13 = arith.constant 0 : i32
      %dma_start3A_14 = tpu.memref_slice %arg4[%add3A, %dma_start3A_13] : memref<32x16384xf32, #tpu.memory_space<hbm>> -> memref<1x16384xf32, #tpu.memory_space<hbm>>
      %dma_start3A_15 = tpu.memref_squeeze %dma_start3A_14 : memref<1x16384xf32, #tpu.memory_space<hbm>> -> memref<16384xf32, #tpu.memory_space<hbm>>
      tpu.enqueue_dma source(%arg6 : memref<16384xf32, #tpu.memory_space<vmem>>) target(%dma_start3A_15 : memref<16384xf32, #tpu.memory_space<hbm>>) target_semaphore(%run_scoped3A : memref<!tpu.dma_semaphore, #tpu.memory_space<semaphore_mem>>)
      %dma_wait3A = arith.constant 0 : i32
      %dma_wait3A_16 = tpu.memref_slice %arg4[%add3A, %dma_wait3A] : memref<32x16384xf32, #tpu.memory_space<hbm>> -> memref<1x16384xf32, #tpu.memory_space<hbm>>
      %dma_wait3A_17 = tpu.memref_squeeze %dma_wait3A_16 : memref<1x16384xf32, #tpu.memory_space<hbm>> -> memref<16384xf32, #tpu.memory_space<hbm>>
      %dma_wait3A_18 = arith.constant 0 : i32
      %dma_wait3A_19 = tpu.memref_slice %arg4[%add3A, %dma_wait3A_18] : memref<32x16384xf32, #tpu.memory_space<hbm>> -> memref<1x16384xf32, #tpu.memory_space<hbm>>
      %dma_wait3A_20 = tpu.memref_squeeze %dma_wait3A_19 : memref<1x16384xf32, #tpu.memory_space<hbm>> -> memref<16384xf32, #tpu.memory_space<hbm>>
      tpu.wait_dma2 semaphore(%run_scoped3A : memref<!tpu.dma_semaphore, #tpu.memory_space<semaphore_mem>>) src(%arg6 : memref<16384xf32, #tpu.memory_space<vmem>>) dst(%dma_wait3A_20 : memref<16384xf32, #tpu.memory_space<hbm>>)
      tpu.yield
    }) : () -> ()
    return
  }
}

module attributes {stable_mosaic.version = 14 : i64} {
  func.func @_tc_prep_body(%arg0: memref<10000x128xf32, #tpu.memory_space<vmem>>, %arg1: memref<128x128xf32, #tpu.memory_space<vmem>>, %arg2: memref<32x16384xf32, #tpu.memory_space<vmem>>, %arg3: memref<10000x128xf32, #tpu.memory_space<vmem>>, %arg4: memref<10000x1xf32, #tpu.memory_space<vmem>>) attributes {dimension_semantics = [], scalar_prefetch = 0 : i64, scratch_operands = 0 : i64, tpu.core_type = #tpu.core_type<tc>} {
    %get3A = arith.constant 0 : index
    %get3A_0 = arith.constant 0 : index
    %get3A_1 = vector.load %arg2[%get3A, %get3A_0] : memref<32x16384xf32, #tpu.memory_space<vmem>>, vector<32x16384xf32>
    %reduce_sum3A = arith.constant dense<0.000000e+00> : vector<16384xf32>
    %reduce_sum3A_2 = vector.multi_reduction <add>, %get3A_1, %reduce_sum3A [0] : vector<32x16384xf32> to vector<16384xf32>
    %reshape3A = vector.shape_cast %reduce_sum3A_2 : vector<16384xf32> to vector<16384x1xf32>
    %slice3A = vector.extract_strided_slice %reshape3A {offsets = [0, 0], sizes = [10000, 1], strides = [1, 1]} : vector<16384x1xf32> to vector<10000x1xf32>
    %add3A = arith.constant 1.000000e+00 : f32
    %add3A_3 = vector.broadcast %add3A : f32 to vector<10000x1xf32>
    %add3A_4 = arith.addf %slice3A, %add3A_3 : vector<10000x1xf32>
    %rsqrt3A = math.rsqrt %add3A_4 : vector<10000x1xf32>
    %get3A_5 = arith.constant 0 : index
    %get3A_6 = arith.constant 0 : index
    %get3A_7 = vector.load %arg0[%get3A_5, %get3A_6] : memref<10000x128xf32, #tpu.memory_space<vmem>>, vector<10000x128xf32>
    %get3A_8 = arith.constant 0 : index
    %get3A_9 = arith.constant 0 : index
    %get3A_10 = vector.load %arg1[%get3A_8, %get3A_9] : memref<128x128xf32, #tpu.memory_space<vmem>>, vector<128x128xf32>
    %dot_general3A = arith.constant dense<0.000000e+00> : vector<10000x128xf32>
    %dot_general3A_11 = tpu.matmul %get3A_7, %get3A_10, %dot_general3A {dimension_numbers = #tpu.dot_dimension_numbers<[1], [0], [0], [1], [0, 0, 1, 1], [], []>, transpose_lhs_hint = false} : vector<10000x128xf32>, vector<128x128xf32>, vector<10000x128xf32> -> vector<10000x128xf32>
    %mul3A = vector.broadcast %rsqrt3A : vector<10000x1xf32> to vector<10000x128xf32>
    %mul3A_12 = arith.mulf %dot_general3A_11, %mul3A : vector<10000x128xf32>
    %swap3A = arith.constant 0 : index
    %swap3A_13 = arith.constant 0 : index
    %swap3A_14 = vector.load %arg3[%swap3A, %swap3A_13] : memref<10000x128xf32, #tpu.memory_space<vmem>>, vector<10000x128xf32>
    tpu.vector_store %arg3[%swap3A, %swap3A_13], %mul3A_12 {strides = array<i32>} : memref<10000x128xf32, #tpu.memory_space<vmem>>, vector<10000x128xf32>,
    %swap3A_15 = arith.constant 0 : index
    %swap3A_16 = arith.constant 0 : index
    %swap3A_17 = vector.load %arg4[%swap3A_15, %swap3A_16] : memref<10000x1xf32, #tpu.memory_space<vmem>>, vector<10000x1xf32>
    tpu.vector_store %arg4[%swap3A_15, %swap3A_16], %rsqrt3A {strides = array<i32>} : memref<10000x1xf32, #tpu.memory_space<vmem>>, vector<10000x1xf32>,
    return
  }
}

module attributes {stable_mosaic.version = 14 : i64} {
  func.func @_tc_mid_body(%arg0: memref<2x10112x128xf32, #tpu.memory_space<vmem>>, %arg1: memref<10000x128xf32, #tpu.memory_space<vmem>>, %arg2: memref<10000x1xf32, #tpu.memory_space<vmem>>, %arg3: memref<1x128xf32, #tpu.memory_space<vmem>>, %arg4: memref<1x128xf32, #tpu.memory_space<vmem>>, %arg5: memref<1x128xf32, #tpu.memory_space<vmem>>, %arg6: memref<128x128xf32, #tpu.memory_space<vmem>>, %arg7: memref<10000x128xf32, #tpu.memory_space<vmem>>) attributes {dimension_semantics = [], scalar_prefetch = 0 : i64, scratch_operands = 0 : i64, tpu.core_type = #tpu.core_type<tc>} {
    %get3A = arith.constant 0 : index
    %get3A_0 = arith.constant 0 : index
    %get3A_1 = arith.constant 0 : index
    %get3A_2 = vector.load %arg0[%get3A, %get3A_0, %get3A_1] : memref<2x10112x128xf32, #tpu.memory_space<vmem>>, vector<1x10000x128xf32>
    %get3A_3 = vector.shape_cast %get3A_2 : vector<1x10000x128xf32> to vector<10000x128xf32>
    %get3A_4 = arith.constant 1 : index
    %get3A_5 = arith.constant 0 : index
    %get3A_6 = arith.constant 0 : index
    %get3A_7 = vector.load %arg0[%get3A_4, %get3A_5, %get3A_6] : memref<2x10112x128xf32, #tpu.memory_space<vmem>>, vector<1x10000x128xf32>
    %get3A_8 = vector.shape_cast %get3A_7 : vector<1x10000x128xf32> to vector<10000x128xf32>
    %add3A = arith.addf %get3A_3, %get3A_8 : vector<10000x128xf32>
    %get3A_9 = arith.constant 0 : index
    %get3A_10 = arith.constant 0 : index
    %get3A_11 = vector.load %arg2[%get3A_9, %get3A_10] : memref<10000x1xf32, #tpu.memory_space<vmem>>, vector<10000x1xf32>
    %get3A_12 = arith.constant 0 : index
    %get3A_13 = arith.constant 0 : index
    %get3A_14 = vector.load %arg1[%get3A_12, %get3A_13] : memref<10000x128xf32, #tpu.memory_space<vmem>>, vector<10000x128xf32>
    %add3A_15 = arith.addf %add3A, %get3A_14 : vector<10000x128xf32>
    %mul3A = vector.broadcast %get3A_11 : vector<10000x1xf32> to vector<10000x128xf32>
    %mul3A_16 = arith.mulf %mul3A, %add3A_15 : vector<10000x128xf32>
    %get3A_17 = arith.constant 0 : index
    %get3A_18 = arith.constant 0 : index
    %get3A_19 = vector.load %arg3[%get3A_17, %get3A_18] : memref<1x128xf32, #tpu.memory_space<vmem>>, vector<1x128xf32>
    %add3A_20 = vector.broadcast %get3A_19 : vector<1x128xf32> to vector<10000x128xf32>
    %add3A_21 = arith.addf %mul3A_16, %add3A_20 : vector<10000x128xf32>
    %get3A_22 = arith.constant 0 : index
    %get3A_23 = arith.constant 0 : index
    %get3A_24 = vector.load %arg4[%get3A_22, %get3A_23] : memref<1x128xf32, #tpu.memory_space<vmem>>, vector<1x128xf32>
    %get3A_25 = arith.constant 0 : index
    %get3A_26 = arith.constant 0 : index
    %get3A_27 = vector.load %arg5[%get3A_25, %get3A_26] : memref<1x128xf32, #tpu.memory_space<vmem>>, vector<1x128xf32>
    %reduce_sum3A = arith.constant dense<0.000000e+00> : vector<128xf32>
    %reduce_sum3A_28 = vector.multi_reduction <add>, %add3A_21, %reduce_sum3A [0] : vector<10000x128xf32> to vector<128xf32>
    %broadcast_in_dim3A = vector.shape_cast %reduce_sum3A_28 : vector<128xf32> to vector<1x128xf32>
    %div3A = arith.constant 1.000000e+04 : f32
    %div3A_29 = vector.broadcast %div3A : f32 to vector<1x128xf32>
    %div3A_30 = arith.divf %broadcast_in_dim3A, %div3A_29 : vector<1x128xf32>
    %sub3A = vector.broadcast %div3A_30 : vector<1x128xf32> to vector<10000x128xf32>
    %sub3A_31 = arith.subf %add3A_21, %sub3A : vector<10000x128xf32>
    %integer_pow3A = arith.mulf %sub3A_31, %sub3A_31 : vector<10000x128xf32>
    %reduce_sum3A_32 = arith.constant dense<0.000000e+00> : vector<128xf32>
    %reduce_sum3A_33 = vector.multi_reduction <add>, %integer_pow3A, %reduce_sum3A_32 [0] : vector<10000x128xf32> to vector<128xf32>
    %broadcast_in_dim3A_34 = vector.shape_cast %reduce_sum3A_33 : vector<128xf32> to vector<1x128xf32>
    %div3A_35 = arith.constant 1.000000e+04 : f32
    %div3A_36 = vector.broadcast %div3A_35 : f32 to vector<1x128xf32>
    %div3A_37 = arith.divf %broadcast_in_dim3A_34, %div3A_36 : vector<1x128xf32>
    %sub3A_38 = vector.broadcast %div3A_30 : vector<1x128xf32> to vector<10000x128xf32>
    %sub3A_39 = arith.subf %add3A_21, %sub3A_38 : vector<10000x128xf32>
    %add3A_40 = arith.constant 9.99999974E-6 : f32
    %add3A_41 = vector.broadcast %add3A_40 : f32 to vector<1x128xf32>
    %add3A_42 = arith.addf %div3A_37, %add3A_41 : vector<1x128xf32>
    %rsqrt3A = math.rsqrt %add3A_42 : vector<1x128xf32>
    %mul3A_43 = vector.broadcast %rsqrt3A : vector<1x128xf32> to vector<10000x128xf32>
    %mul3A_44 = arith.mulf %sub3A_39, %mul3A_43 : vector<10000x128xf32>
    %mul3A_45 = vector.broadcast %get3A_24 : vector<1x128xf32> to vector<10000x128xf32>
    %mul3A_46 = arith.mulf %mul3A_44, %mul3A_45 : vector<10000x128xf32>
    %add3A_47 = vector.broadcast %get3A_27 : vector<1x128xf32> to vector<10000x128xf32>
    %add3A_48 = arith.addf %mul3A_46, %add3A_47 : vector<10000x128xf32>
    %max3A = arith.constant 0.000000e+00 : f32
    %max3A_49 = vector.broadcast %max3A : f32 to vector<10000x128xf32>
    %max3A_50 = arith.maximumf %add3A_48, %max3A_49 : vector<10000x128xf32>
    %get3A_51 = arith.constant 0 : index
    %get3A_52 = arith.constant 0 : index
    %get3A_53 = vector.load %arg6[%get3A_51, %get3A_52] : memref<128x128xf32, #tpu.memory_space<vmem>>, vector<128x128xf32>
    %dot_general3A = arith.constant dense<0.000000e+00> : vector<10000x128xf32>
    %dot_general3A_54 = tpu.matmul %max3A_50, %get3A_53, %dot_general3A {dimension_numbers = #tpu.dot_dimension_numbers<[1], [0], [0], [1], [0, 0, 1, 1], [], []>, transpose_lhs_hint = false} : vector<10000x128xf32>, vector<128x128xf32>, vector<10000x128xf32> -> vector<10000x128xf32>
    %mul3A_55 = vector.broadcast %get3A_11 : vector<10000x1xf32> to vector<10000x128xf32>
    %mul3A_56 = arith.mulf %dot_general3A_54, %mul3A_55 : vector<10000x128xf32>
    %swap3A = arith.constant 0 : index
    %swap3A_57 = arith.constant 0 : index
    %swap3A_58 = vector.load %arg7[%swap3A, %swap3A_57] : memref<10000x128xf32, #tpu.memory_space<vmem>>, vector<10000x128xf32>
    tpu.vector_store %arg7[%swap3A, %swap3A_57], %mul3A_56 {strides = array<i32>} : memref<10000x128xf32, #tpu.memory_space<vmem>>, vector<10000x128xf32>,
    return
  }
}

module attributes {stable_mosaic.version = 14 : i64} {
  func.func @_tc_fin_body(%arg0: memref<2x10112x128xf32, #tpu.memory_space<vmem>>, %arg1: memref<10000x128xf32, #tpu.memory_space<vmem>>, %arg2: memref<10000x1xf32, #tpu.memory_space<vmem>>, %arg3: memref<1x128xf32, #tpu.memory_space<vmem>>, %arg4: memref<1x128xf32, #tpu.memory_space<vmem>>, %arg5: memref<1x128xf32, #tpu.memory_space<vmem>>, %arg6: memref<10000x1xi32, #tpu.memory_space<vmem>>, %arg7: memref<128x16xf32, #tpu.memory_space<vmem>>, %arg8: memref<1x16xf32, #tpu.memory_space<vmem>>, %arg9: memref<128x16xf32, #tpu.memory_space<vmem>>) attributes {dimension_semantics = [], scalar_prefetch = 0 : i64, scratch_operands = 0 : i64, tpu.core_type = #tpu.core_type<tc>} {
    %get3A = arith.constant 0 : index
    %get3A_0 = arith.constant 0 : index
    %get3A_1 = arith.constant 0 : index
    %get3A_2 = vector.load %arg0[%get3A, %get3A_0, %get3A_1] : memref<2x10112x128xf32, #tpu.memory_space<vmem>>, vector<1x10000x128xf32>
    %get3A_3 = vector.shape_cast %get3A_2 : vector<1x10000x128xf32> to vector<10000x128xf32>
    %get3A_4 = arith.constant 1 : index
    %get3A_5 = arith.constant 0 : index
    %get3A_6 = arith.constant 0 : index
    %get3A_7 = vector.load %arg0[%get3A_4, %get3A_5, %get3A_6] : memref<2x10112x128xf32, #tpu.memory_space<vmem>>, vector<1x10000x128xf32>
    %get3A_8 = vector.shape_cast %get3A_7 : vector<1x10000x128xf32> to vector<10000x128xf32>
    %add3A = arith.addf %get3A_3, %get3A_8 : vector<10000x128xf32>
    %get3A_9 = arith.constant 0 : index
    %get3A_10 = arith.constant 0 : index
    %get3A_11 = vector.load %arg2[%get3A_9, %get3A_10] : memref<10000x1xf32, #tpu.memory_space<vmem>>, vector<10000x1xf32>
    %get3A_12 = arith.constant 0 : index
    %get3A_13 = arith.constant 0 : index
    %get3A_14 = vector.load %arg1[%get3A_12, %get3A_13] : memref<10000x128xf32, #tpu.memory_space<vmem>>, vector<10000x128xf32>
    %add3A_15 = arith.addf %add3A, %get3A_14 : vector<10000x128xf32>
    %mul3A = vector.broadcast %get3A_11 : vector<10000x1xf32> to vector<10000x128xf32>
    %mul3A_16 = arith.mulf %mul3A, %add3A_15 : vector<10000x128xf32>
    %get3A_17 = arith.constant 0 : index
    %get3A_18 = arith.constant 0 : index
    %get3A_19 = vector.load %arg3[%get3A_17, %get3A_18] : memref<1x128xf32, #tpu.memory_space<vmem>>, vector<1x128xf32>
    %add3A_20 = vector.broadcast %get3A_19 : vector<1x128xf32> to vector<10000x128xf32>
    %add3A_21 = arith.addf %mul3A_16, %add3A_20 : vector<10000x128xf32>
    %get3A_22 = arith.constant 0 : index
    %get3A_23 = arith.constant 0 : index
    %get3A_24 = vector.load %arg4[%get3A_22, %get3A_23] : memref<1x128xf32, #tpu.memory_space<vmem>>, vector<1x128xf32>
    %get3A_25 = arith.constant 0 : index
    %get3A_26 = arith.constant 0 : index
    %get3A_27 = vector.load %arg5[%get3A_25, %get3A_26] : memref<1x128xf32, #tpu.memory_space<vmem>>, vector<1x128xf32>
    %reduce_sum3A = arith.constant dense<0.000000e+00> : vector<128xf32>
    %reduce_sum3A_28 = vector.multi_reduction <add>, %add3A_21, %reduce_sum3A [0] : vector<10000x128xf32> to vector<128xf32>
    %broadcast_in_dim3A = vector.shape_cast %reduce_sum3A_28 : vector<128xf32> to vector<1x128xf32>
    %div3A = arith.constant 1.000000e+04 : f32
    %div3A_29 = vector.broadcast %div3A : f32 to vector<1x128xf32>
    %div3A_30 = arith.divf %broadcast_in_dim3A, %div3A_29 : vector<1x128xf32>
    %sub3A = vector.broadcast %div3A_30 : vector<1x128xf32> to vector<10000x128xf32>
    %sub3A_31 = arith.subf %add3A_21, %sub3A : vector<10000x128xf32>
    %integer_pow3A = arith.mulf %sub3A_31, %sub3A_31 : vector<10000x128xf32>
    %reduce_sum3A_32 = arith.constant dense<0.000000e+00> : vector<128xf32>
    %reduce_sum3A_33 = vector.multi_reduction <add>, %integer_pow3A, %reduce_sum3A_32 [0] : vector<10000x128xf32> to vector<128xf32>
    %broadcast_in_dim3A_34 = vector.shape_cast %reduce_sum3A_33 : vector<128xf32> to vector<1x128xf32>
    %div3A_35 = arith.constant 1.000000e+04 : f32
    %div3A_36 = vector.broadcast %div3A_35 : f32 to vector<1x128xf32>
    %div3A_37 = arith.divf %broadcast_in_dim3A_34, %div3A_36 : vector<1x128xf32>
    %sub3A_38 = vector.broadcast %div3A_30 : vector<1x128xf32> to vector<10000x128xf32>
    %sub3A_39 = arith.subf %add3A_21, %sub3A_38 : vector<10000x128xf32>
    %add3A_40 = arith.constant 9.99999974E-6 : f32
    %add3A_41 = vector.broadcast %add3A_40 : f32 to vector<1x128xf32>
    %add3A_42 = arith.addf %div3A_37, %add3A_41 : vector<1x128xf32>
    %rsqrt3A = math.rsqrt %add3A_42 : vector<1x128xf32>
    %mul3A_43 = vector.broadcast %rsqrt3A : vector<1x128xf32> to vector<10000x128xf32>
    %mul3A_44 = arith.mulf %sub3A_39, %mul3A_43 : vector<10000x128xf32>
    %mul3A_45 = vector.broadcast %get3A_24 : vector<1x128xf32> to vector<10000x128xf32>
    %mul3A_46 = arith.mulf %mul3A_44, %mul3A_45 : vector<10000x128xf32>
    %add3A_47 = vector.broadcast %get3A_27 : vector<1x128xf32> to vector<10000x128xf32>
    %add3A_48 = arith.addf %mul3A_46, %add3A_47 : vector<10000x128xf32>
    %max3A = arith.constant 0.000000e+00 : f32
    %max3A_49 = vector.broadcast %max3A : f32 to vector<10000x128xf32>
    %max3A_50 = arith.maximumf %add3A_48, %max3A_49 : vector<10000x128xf32>
    %get3A_51 = arith.constant 0 : index
    %get3A_52 = arith.constant 0 : index
    %get3A_53 = vector.load %arg6[%get3A_51, %get3A_52] : memref<10000x1xi32, #tpu.memory_space<vmem>>, vector<10000x1xi32>
    %iota3A = tpu.iota {dimensions = array<i32: 1>} : vector<10000x128xi32>
    %eq3A = vector.broadcast %get3A_53 : vector<10000x1xi32> to vector<10000x128xi32>
    %eq3A_54 = arith.cmpi eq, %eq3A, %iota3A : vector<10000x128xi32>
    %convert_element_type3A = arith.extui %eq3A_54 : vector<10000x128xi1> to vector<10000x128xi32>
    %convert_element_type3A_55 = arith.sitofp %convert_element_type3A : vector<10000x128xi32> to vector<10000x128xf32>
    %dot_general3A = arith.constant dense<0.000000e+00> : vector<128x128xf32>
    %dot_general3A_56 = tpu.matmul %convert_element_type3A_55, %max3A_50, %dot_general3A {dimension_numbers = #tpu.dot_dimension_numbers<[0], [0], [1], [1], [0, 1, 1, 1], [], []>, transpose_lhs_hint = false} : vector<10000x128xf32>, vector<10000x128xf32>, vector<128x128xf32> -> vector<128x128xf32>
    %reduce_sum3A_57 = arith.constant dense<0.000000e+00> : vector<128xf32>
    %reduce_sum3A_58 = vector.multi_reduction <add>, %convert_element_type3A_55, %reduce_sum3A_57 [0] : vector<10000x128xf32> to vector<128xf32>
    %broadcast_in_dim3A_59 = vector.shape_cast %reduce_sum3A_58 : vector<128xf32> to vector<128x1xf32>
    %max3A_60 = arith.constant 1.000000e+00 : f32
    %max3A_61 = vector.broadcast %max3A_60 : f32 to vector<128x1xf32>
    %max3A_62 = arith.maximumf %broadcast_in_dim3A_59, %max3A_61 : vector<128x1xf32>
    %div3A_63 = vector.broadcast %max3A_62 : vector<128x1xf32> to vector<128x128xf32>
    %div3A_64 = arith.divf %dot_general3A_56, %div3A_63 : vector<128x128xf32>
    %get3A_65 = arith.constant 0 : index
    %get3A_66 = arith.constant 0 : index
    %get3A_67 = vector.load %arg7[%get3A_65, %get3A_66] : memref<128x16xf32, #tpu.memory_space<vmem>>, vector<128x16xf32>
    %dot_general3A_68 = arith.constant dense<0.000000e+00> : vector<128x16xf32>
    %dot_general3A_69 = tpu.matmul %div3A_64, %get3A_67, %dot_general3A_68 {dimension_numbers = #tpu.dot_dimension_numbers<[1], [0], [0], [1], [0, 0, 1, 1], [], []>, transpose_lhs_hint = false} : vector<128x128xf32>, vector<128x16xf32>, vector<128x16xf32> -> vector<128x16xf32>
    %get3A_70 = arith.constant 0 : index
    %get3A_71 = arith.constant 0 : index
    %get3A_72 = vector.load %arg8[%get3A_70, %get3A_71] : memref<1x16xf32, #tpu.memory_space<vmem>>, vector<1x16xf32>
    %add3A_73 = vector.broadcast %get3A_72 : vector<1x16xf32> to vector<128x16xf32>
    %add3A_74 = arith.addf %dot_general3A_69, %add3A_73 : vector<128x16xf32>
    %swap3A = arith.constant 0 : index
    %swap3A_75 = arith.constant 0 : index
    %swap3A_76 = vector.load %arg9[%swap3A, %swap3A_75] : memref<128x16xf32, #tpu.memory_space<vmem>>, vector<128x16xf32>
    tpu.vector_store %arg9[%swap3A, %swap3A_75], %add3A_74 {strides = array<i32>} : memref<128x16xf32, #tpu.memory_space<vmem>>, vector<128x16xf32>,
    return
  }
}

</mosaic_0001>

<sc_bundles>
// kernel: kernel.11.cloned.1.call-start
scs
__scs_entry_jumppad:
0x0: {  	(pc) =	sbr.rel $0x88, $3  }
0x1: {  	(tag) =	ssettag $0x0;
	lr =	simm.s32 $0x1  }
0x2: {  	[smem:$0x3F94] =	sst lr;
	_ =	strace $0xD0000000  }
0x3: {  	_ = 	snop  }
0x4: {  	_ = 	snop  }
0x5: {  	_ = 	snop  }
0x6: {  	_ = 	snop  }
0x7: {  	_ = 	snop  }
__scs_overlays_trampoline_lowered:
0x8: {  	[smem:$0x3FA3] =	sst s0  }
0x9: {  	[smem:$0x3FA4] =	sst s1  }
0xa: {  	[smem:$0x3FA5] =	sst s2  }
0xb: {  	[smem:$0x3FA6] =	sst s3  }
0xc: {  	[smem:$0x3FA7] =	sst s4  }
0xd: {  	[smem:$0x3FA8] =	sst s5  }
0xe: {  	[smem:$0x3FA9] =	sst s6  }
0xf: {  	[smem:$0x3FAA] =	sst s7  }
0x10: {  	[smem:$0x3FAB] =	sst s8  }
0x11: {  	[smem:$0x3FAC] =	sst s9;
	s0 =	simm.s32 @!p0 $0x0  }
0x12: {  	s1 =	sld [smem:$0x3F92];
	s0 =	simm.s32 @p0 $0x1  }
0x13: {  	[smem:$0x3FAD] =	sst s0;
	s0 =	simm.s32 @!p1 $0x0  }
0x14: {  	s2 =	sld [smem:$0x3F91];
	s0 =	simm.s32 @p1 $0x1  }
0x15: {  	[smem:$0x3FAE] =	sst s0;
	s0 =	simm.s32 @!p2 $0x0  }
0x16: {  	s3 =	sld [smem:$0x3FDB];
	s0 =	simm.s32 @p2 $0x1  }
0x17: {  	s4 =	simm.s32 $0x1BF5;
	[smem:$0x3FB0] =	sst s0  }
0x18: {  	s0 =	sld [smem:$0x3F93];
	_ =	swait.ge [sflag:s4], $0x0  }
0x19: {  	s7 =	sld [smem:$0x3F94]  }
0x1a: {  	s8 =	sadd.s32 $0xFFFFE003, lr  }
0x1b: {  	s9 =	sadd.s32 $0xFFFFFEF7, lr;
	s5 =	simm.s32 $0xFFFFFFFF;
	p2 =	slt.u32 s8, $0xFFFFF086  }
0x1c: {  	p1 =	slt.u32 s9, $0xF7A;
	s5 =	simm.s32 @!p2 $0x0  }
0x1d: {  	s5 =	simm.s32 @p1 $0x1;
	p0 =	seq.s32 s7, s2  }
0x1e: {  	s7 =	smul.u32 @!p0 $0xF7A, s2;
	p2 =	seq.s32 @!p0 s5, $0x0  }
0x1f: {  	s9 =	smul.u32 $0xF7A, s1;
	s8 =	simm.s32 @!p0 $0x1BF5;
	p2 =	por !p2, p0  }
0x20: {  	[sflag:s8] =	ssyncset.s32 @!p0 $0xFFFFF086;
	s6 =	sadd.s32 @!p0 s3, s7;
	s7 =	simm.s32 @!p0 $0x108  }
0x21: {  	s3 =	sadd.s32 s3, s9;
	s6 =	sadd.s32 @!p0 $0x88, s6;
	s7 =	simm.s32 @p2 $0x1082  }
0x22: {  	[simem:s7], [sflag:s8] =	dma.local @!p0 [hbm:s6], $0xF7A  }
0x23: {  	s9 =	sor.u32 $0xD0000000, s2;
	s6 =	simm.s32 $0x108;
	_ =	swait.ge @!p0 [sflag:s8], $0x0  }
0x24: {  	s3 =	sadd.s32 $0x88, s3;
	s6 =	simm.s32 @!p1 $0x1082;
	[sflag:s4] =	ssyncset.s32 $0xFFFFF086  }
0x25: {  	[simem:s6], [sflag:s4] =	dma.local [hbm:s3], $0xF7A  }
0x26: {  	[smem:$0x3F94] =	sst s1;
	(tag) =	ssettag s2;
	_ =	strace s9  }
0x27: {  	s1 =	sld [smem:$0x3FA4]  }
0x28: {  	s2 =	sld [smem:$0x3FA5]  }
0x29: {  	s4 =	sld [smem:$0x3FA7]  }
0x2a: {  	p0 =	seq.s32 s5, $0x0;
	s5 =	sld [smem:$0x3FA8]  }
0x2b: {  	s6 =	sld [smem:$0x3FA9]  }
0x2c: {  	s7 =	sld [smem:$0x3FAA]  }
0x2d: {  	s3 =	simm.s32 $0x108;
	s8 =	sld [smem:$0x3FAB]  }
0x2e: {  	s3 =	simm.s32 @!p0 $0x1082;
	s9 =	sld [smem:$0x3FAC]  }
0x2f: {  	lr =	sadd.s32 s0, s3;
	s0 =	sld [smem:$0x3FA3]  }
0x30: {  	s3 =	sld [smem:$0x3FA6]  }
0x31: {  	[smem:$0x3FAF] =	sst s10  }
0x32: {  	s10 =	sld [smem:$0x3FAD];
	_ =	sdelay $0x3  }
0x33: {  	p0 =	seq.s32 s10, $0x1;
	s10 =	sld [smem:$0x3FAF];
	_ =	sdelay $0x3  }
0x34: {  	[smem:$0x3FAF] =	sst s10  }
0x35: {  	s10 =	sld [smem:$0x3FAE];
	_ =	sdelay $0x3  }
0x36: {  	p1 =	seq.s32 s10, $0x1;
	s10 =	sld [smem:$0x3FAF];
	_ =	sdelay $0x3  }
0x37: {  	[smem:$0x3FAF] =	sst s10  }
0x38: {  	s10 =	sld [smem:$0x3FB0]  }
0x39: {  	_ = 	snop;
	(pc) =	sbr.ind lr, $3  }
0x3a: {  	_ = 	snop  }
0x3b: {  	_ = 	snop  }
0x3c: {  	p2 =	seq.s32 s10, $0x1;
	s10 =	sld [smem:$0x3FAF]  }
0x3d: {  	_ =	shalt  }
0x3e: {  	_ =	shalt  }
0x3f: {  	_ =	shalt  }
0x40: {  	_ =	shalt  }
0x41: {  	_ =	shalt  }
0x42: {  	_ =	shalt  }
0x43: {  	_ =	shalt  }
0x44: {  	_ =	shalt  }
0x45: {  	_ =	shalt  }
0x46: {  	_ =	shalt  }
0x47: {  	_ =	shalt  }
0x48: {  	_ =	shalt  }
0x49: {  	_ =	shalt  }
0x4a: {  	_ =	shalt  }
0x4b: {  	_ =	shalt  }
0x4c: {  	_ =	shalt  }
0x4d: {  	_ =	shalt  }
0x4e: {  	_ =	shalt  }
0x4f: {  	_ =	shalt  }
0x50: {  	_ =	shalt  }
0x51: {  	_ =	shalt  }
0x52: {  	_ =	shalt  }
0x53: {  	_ =	shalt  }
0x54: {  	_ =	shalt  }
0x55: {  	_ =	shalt  }
0x56: {  	_ =	shalt  }
0x57: {  	_ =	shalt  }
0x58: {  	_ =	shalt  }
0x59: {  	_ =	shalt  }
0x5a: {  	_ =	shalt  }
0x5b: {  	_ =	shalt  }
0x5c: {  	_ =	shalt  }
0x5d: {  	_ =	shalt  }
0x5e: {  	_ =	shalt  }
0x5f: {  	_ =	shalt  }
0x60: {  	_ =	shalt  }
0x61: {  	_ =	shalt  }
0x62: {  	_ =	shalt  }
0x63: {  	_ =	shalt  }
0x64: {  	_ =	shalt  }
0x65: {  	_ =	shalt  }
0x66: {  	_ =	shalt  }
0x67: {  	_ =	shalt  }
0x68: {  	_ =	shalt  }
0x69: {  	_ =	shalt  }
0x6a: {  	_ =	shalt  }
0x6b: {  	_ =	shalt  }
0x6c: {  	_ =	shalt  }
0x6d: {  	_ =	shalt  }
0x6e: {  	_ =	shalt  }
0x6f: {  	_ =	shalt  }
0x70: {  	_ =	shalt  }
0x71: {  	_ =	shalt  }
0x72: {  	_ =	shalt  }
0x73: {  	_ =	shalt  }
0x74: {  	_ =	shalt  }
0x75: {  	_ =	shalt  }
0x76: {  	_ =	shalt  }
0x77: {  	_ =	shalt  }
0x78: {  	_ =	shalt  }
0x79: {  	_ =	shalt  }
0x7a: {  	_ =	shalt  }
0x7b: {  	_ =	shalt  }
0x7c: {  	_ =	shalt  }
0x7d: {  	_ =	shalt  }
0x7e: {  	_ =	shalt  }
0x7f: {  	_ =	shalt  }
0x80: {  	_ =	shalt  }
0x81: {  	_ =	shalt  }
0x82: {  	_ =	shalt  }
0x83: {  	_ =	shalt  }
0x84: {  	_ =	shalt  }
0x85: {  	_ =	shalt  }
0x86: {  	_ =	shalt  }
0x87: {  	_ =	shalt  }
.Lfunc_end0:
.L_simem_size_0:
called_computation.1_lowered:
.L_overlay_start_0:
0x88: {  	s2 =	sld [smem:$0x3FD9]  }
0x89: {  	s3 =	sld [smem:$0x3FFE];
	_ =	sdelay $0x1  }
0x8a: {  	s1 =	srdreg.scid  }
0x8b: {  	s0 =	sand.u32 $0x1, s1  }
0x8c: {  	s16 =	sshll.u32 s0, $0xA;
	s2 =	sadd.s32 s3, s2  }
0x8d: {  	s2 =	sadd.s32 s2, s16  }
0x8e: {  	[smem:$0x3FBB] =	sst s2  }
0x8f: {  	_ = 	snop  }
0x90: {  	(tm) =	ssettm $0x1  }
0x91: {  	s17 =	sld [smem:$0x3FFB];
	_ =	sdelay $0x3  }
0x92: {  	_ =	strace s17  }
0x93: {  	s2 =	sld [smem:$0x3FFC];
	_ =	sdelay $0x3  }
0x94: {  	_ =	strace s2  }
0x95: {  	s2 =	sld [smem:$0x3FFD];
	_ =	sdelay $0x3  }
0x96: {  	_ =	strace s2  }
0x97: {  	_ =	strace $0x8FFFFFFF  }
0x98: {  	s18 =	sld [smem:$0x3FDB];
	_ =	sdelay $0x1  }
0x99: {  	s19 =	simm.s32 $_scs_section_size  }
0x9a: {  	s4 =	simm.s32 $_size__tile_overlayer_lowered;
	s5 =	simm.s32 $_tile_overlayer_lowered  }
0x9b: {  	s22 =	simm.s32 $0x1BFF;
	s21 =	sshll.u32 s5, $0x1;
	s2 =	sadd.s32 s19, s18  }
0x9c: {  	s6 =	simm.s32 $0x0;
	s20 =	sshll.u32 s4, $0x1;
	s4 =	sadd.s32 s21, s2  }
0x9d: {  	[timem:s6], [sflag:s22] =	dma.local [hbm:s4], s20  }
0x9e: {  	_ =	swait.ge [sflag:s22], s20  }
0x9f: {  	s3 =	ssub.s32 $0x0, s20;
	[sflag:s22] =	ssyncset.done $0x0  }
0xa0: {  	[sflag:s22] =	ssyncadd.s32 s3;
	_ =	sdelay $0x1  }
0xa1: {  	s23 =	simm.s32 $0x1B8B  }
0xa2: {  	_ =	swait.ge [sflag:s23], $0x1  }
0xa3: {  	[sflag:s23] =	ssyncset.done $0x0  }
0xa4: {  	s25 =	simm.s32 $0x1B8E;
	s24 =	sld [smem:$0x3FFE];
	[sflag:s23] =	ssyncadd.s32 $0xFFFFFFFF  }
0xa5: {  	s26 =	simm.s32 $execute0_lowered;
	[smem:$0x3FD2] =	sst s25  }
0xa6: {  	s4 =	sshll.u32 s26, $0x1;
	_ =	strace $0x80000049;
	[dreg:$0x1] =	wrdreg $0xFFFFFFFF  }
0xa7: {  	s28 =	simm.s32 $_size_execute0_lowered;
	s2 =	sadd.s32 s2, s4;
	[dreg:$0x0] =	wrdreg $0x0  }
0xa8: {  	s4 =	sshll.u32 s28, $0x1;
	[dreg:$0x2] =	wrdreg s2  }
0xa9: {  	[dreg:$0x3] =	wrdreg s4  }
0xaa: {  	[dreg:$0x4] =	wrdreg $0xC0  }
0xab: {  	_ =	task [dreg:s6], $0x5FFFF  }
0xac: {  	[dreg:$0x1] =	wrdreg $0xFFFFFFFF  }
0xad: {  	[dreg:$0x0] =	wrdreg $0x60  }
0xae: {  	[dreg:$0x2] =	wrdreg s24  }
0xaf: {  	[dreg:$0x3] =	wrdreg $0xAD000  }
0xb0: {  	[dreg:$0x4] =	wrdreg $0x9  }
0xb1: {  	_ =	task.clear_ibuf [dreg:s6], $0x5FFFF;
	_ =	strace $0x90000049  }
0xb2: {  	s29 =	simm.s32 $0x9;
	_ =	strace $0x8000004B  }
0xb3: {  	_ =	swait.ge [sflag:s29], $0x1  }
0xb4: {  	[sflag:s29] =	ssyncadd.s32 $0xFFFFFFFF  }
0xb5: {  	_ =	strace $0x9000004B  }
0xb6: {  	_ =	sfence  }
0xb7: {  	s30 =	sld [smem:$0x0];
	_ =	sdelay $0x2  }
0xb8: {  	s31 =	sshll.u32 s1, $0xD;
	s1 =	sshrl.u32 s1, $0x2  }
0xb9: {  	s3 =	sand.u32 $0x4000, s31;
	s1 =	sadd.s32 s1, s30  }
0xba: {  	s0 =	sor.u32 s3, s0;
	s1 =	sshll.u32 s1, $0x11  }
0xbb: {  	s0 =	sor.u32 s1, s0  }
0xbc: {  	s0 =	sadd.s32 $0x8F2B, s0  }
0xbd: {  	[sflag:s0] =	ssyncadd.remote.s32 $0x1  }
0xbe: {  	_ =	sfence.sel $0xFFFF  }
0xbf: {  	[dreg:$0x0] =	wrdreg $0xFFFFFFFF;
	(pc) =	sbr.abs _section_cstart, $3  }
0xc0: {  	[dreg:$0x1] =	wrdreg $0xFFFFFFFF  }
0xc1: {  	_ =	task.clear_ibuf [dreg:s6], $0x2FFFF;
	_ =	strace $0x9FFFFFFF  }
0xc2: {  	(tm) =	ssettm $0x7FFFFFFF  }
0xc3: {  	_ =	shalt  }
tec
execute0_lowered:
.L_overlay_start_1:
0x0: {  	(tag) =	ssettag $0x1  }
0x1: {  	s0 =	srdreg.scid;
	s7 =	rddreg [dreg:$0x0]  }
0x2: {  	s2 =	rddreg [dreg:$0x1];
	s3 =	simm.s32 $0x0;
	s17 =	simm.s32 $0x80  }
0x3: {  	s18 =	simm.s32 $0x2D00;
	s19 =	simm.s32 $0x6D00;
	s20 =	simm.s32 $0x1  }
0x4: {  	s21 =	simm.s32 $0x3;
	s22 =	simm.s32 $0x2;
	s6 =	sand.u32 $0x1, s0  }
0x5: {  	s23 =	simm.s32 $0x4;
	s0 =	stileid.u32;
	s5 =	smul.u32 $0x13C000, s6  }
0x6: {  	s24 =	simm.s32 $0x0;
	[smem:$0x7FF] =	sst s3;
	s9 =	smul.u32 $0x13C00, s0  }
0x7: {  	s11 =	sadd.s32 $0xD800, s7;
	s1 =	sshll.u32 s6, $0x4;
	s13 =	smul.u32 $0x4F000, s0  }
0x8: {  	s12 =	ssub.s32 $0x2, s6;
	s30 =	sshll.u32 s0, $0x6;
	s31 =	smul.u32 $0x5000, s6  }
0x9: {  	s16 =	smul.u32 $0x500, s0;
	s4 =	sor.u32 s0, s1;
	s1 =	rddreg [dreg:$0x2]  }
0xa: {  	_ =	strace $0x8000004A;
	s14 =	sshrl.u32 s12, $0x1;
	s6 =	sor.u32 $0x1C05, s30  }
0xb: {  	s8 =	smul.u32 $0x500, s4;
	s4 =	sadd.s32 $0x32400, s7;
	s9 =	sadd.s32 s9, s5  }
0xc: {  	s5 =	sadd.s32 $0x3600, s7;
	s12 =	ssub.s32 s12, s14;
	s29 =	sshrl.u32 s13, $0x2  }
0xd: {  	s14 =	sadd.s32 s31, s11;
	s9 =	sshrl.u32 s9, $0x3;
	s13 =	sadd.s32 s29, s2  }
0xe: {  	s10 =	sadd.s32 s8, s7;
	s15 =	sadd.s32 s9, s7;
	s7 =	sadd.s32 s11, s8  }
0xf: {  	s11 =	smax.u32 s12, $0x1;
	s12 =	sadd.s32 s16, s14;
	s13 =	sshrl.u32 s13, $0x3  }
0x10: {  	s14 =	simm.s32 $0x5;
	s16 =	simm.s32 $0x2C80;
	s8 =	sadd.s32 $0x28200, s10  }
0x11: {  	s9 =	sadd.s32 $0x10, s7;
	s10 =	sadd.s32 $0x59600, s15;
	s15 =	simm.s32 $0x2C00  }
.LBB2_1:
0x12: {  	[spmem:s13], [sflag:s6] =	dma.local [hbm:s5], $0x2780  }
0x13: {  	_ =	swait.ge [sflag:s14], $0x2780  }
0x14: {  	[sflag:s14] =	ssyncset.done $0x0  }
0x15: {  	[sflag:s14] =	ssyncadd.s32 $0xFFFFD880  }
0x16: {  	[tilespmem:s3], [sflag:$0x5] =	stream.linear.gather [hbm4b:s8+s3], $0x2C00, $0x38;
	[tilespmem:$0x1E900] =	vst v63  }
0x17: {  	_ =	swait.ge [sflag:s14], $0x2C00  }
0x18: {  	[sflag:s14] =	ssyncset.done $0x0  }
0x19: {  	[sflag:s14] =	ssyncadd.s32 $0xFFFFD400  }
0x1a: {  	[tilespmem:s15], [sflag:$0x3] =	stream.linear.gather [hbm4b:s7+s3], $0x80, $0x38;
	[tilespmem:$0x1E900] =	vst v63  }
0x1b: {  	_ = 	snop  }
0x1c: {  	[tilespmem:s16], [sflag:$0x4] =	stream.linear.gather [hbm4b:s9+s3], $0x80, $0x38;
	[tilespmem:$0x1E900] =	vst v63  }
0x1d: {  	[bflag:$0x0] =	sbarrier.arrive $0xFFFF  }
0x1e: {  	[tilespmem:s18], [sflag:$0x1] =	stream.indirect.gather [hbm4b:s4+s17], $0x80, s3, s17, $0xb8;
	[tilespmem:$0x1E900] =	vst v63  }
0x1f: {  	_ = 	snop  }
0x20: {  	[tilespmem:s19], [sflag:$0x2] =	stream.indirect.gather [hbm4b:s4+s17], $0x80, s17, s17, $0xb8;
	[tilespmem:$0x1E900] =	vst v63  }
0x21: {  	_ =	swait.ge [sflag:s20], $0x4000  }
0x22: {  	[sflag:s20] =	ssyncset.done $0x0  }
0x23: {  	[sflag:s20] =	ssyncadd.s32 $0xFFFFC000  }
0x24: {  	_ =	swait.ge [sflag:s21], $0x80  }
0x25: {  	[sflag:s21] =	ssyncset.done $0x0  }
0x26: {  	[sflag:s21] =	ssyncadd.s32 $0xFFFFFF80  }
0x27: {  	[spmem:s2] =	stream.indirect.scatter.add.f32 [tilespmem:s18], [sflag:$0x5], $0x80, s15, s17, $0xb8;
	[tilespmem:$0x1E900] =	vst v63  }
0x28: {  	_ =	swait.ge [sflag:s14], $0x4000  }
0x29: {  	[sflag:s14] =	ssyncset.done $0x0  }
0x2a: {  	s25 =	simm.s32 $0x100;
	s26 =	sadd.s32 $0x0, s12;
	[sflag:s14] =	ssyncadd.s32 $0xFFFFC000  }
0x2b: {  	[tilespmem:s18], [sflag:$0x1] =	stream.indirect.gather [hbm4b:s4+s17], $0x80, s25, s17, $0xb8;
	[tilespmem:$0x1E900] =	vst v63  }
0x2c: {  	s30 =	sadd.s32 $0x20, s26  }
0x2d: {  	[tilespmem:s15], [sflag:$0x3] =	stream.linear.gather [hbm4b:s30+s3], $0x80, $0x38;
	[tilespmem:$0x1E900] =	vst v63  }
0x2e: {  	_ =	swait.ge [sflag:s22], $0x4000  }
0x2f: {  	[sflag:s22] =	ssyncset.done $0x0  }
0x30: {  	[sflag:s22] =	ssyncadd.s32 $0xFFFFC000  }
0x31: {  	_ =	swait.ge [sflag:s23], $0x80  }
0x32: {  	[sflag:s23] =	ssyncset.done $0x0  }
0x33: {  	[sflag:s23] =	ssyncadd.s32 $0xFFFFFF80  }
0x34: {  	[spmem:s2] =	stream.indirect.scatter.add.f32 [tilespmem:s19], [sflag:$0x5], $0x80, s16, s17, $0xb8;
	[tilespmem:$0x1E900] =	vst v63  }
0x35: {  	_ =	swait.ge [sflag:s14], $0x4000  }
0x36: {  	s31 =	simm.s32 $0x180;
	s28 =	sadd.s32 $0x30, s26;
	[sflag:s14] =	ssyncset.done $0x0  }
0x37: {  	s26 =	simm.s32 $0x280;
	s25 =	simm.s32 $0x20;
	[sflag:s14] =	ssyncadd.s32 $0xFFFFC000  }
0x38: {  	[tilespmem:s19], [sflag:$0x2] =	stream.indirect.gather [hbm4b:s4+s17], $0x80, s31, s17, $0xb8;
	[tilespmem:$0x1E900] =	vst v63  }
.LBB2_2:
0x39: {  	[tilespmem:s16], [sflag:$0x4] =	stream.linear.gather [hbm4b:s28+s3], $0x80, $0x38;
	[tilespmem:$0x1E900] =	vst v63  }
0x3a: {  	s28 =	smov.u32 s25  }
0x3b: {  	p0 =	sne.s32 s25, $0x4E0;
	s25 =	sadd.s32 $0x20, s25;
	_ =	swait.ge [sflag:s20], $0x4000  }
0x3c: {  	[sflag:s20] =	ssyncset.done $0x0  }
0x3d: {  	[sflag:s20] =	ssyncadd.s32 $0xFFFFC000  }
0x3e: {  	_ =	swait.ge [sflag:s21], $0x80  }
0x3f: {  	[sflag:s21] =	ssyncset.done $0x0  }
0x40: {  	[sflag:s21] =	ssyncadd.s32 $0xFFFFFF80  }
0x41: {  	[spmem:s2] =	stream.indirect.scatter.add.f32 [tilespmem:s18], [sflag:$0x5], $0x80, s15, s17, $0xb8;
	[tilespmem:$0x1E900] =	vst v63  }
0x42: {  	_ =	swait.ge [sflag:s14], $0x4000  }
0x43: {  	[sflag:s14] =	ssyncset.done $0x0  }
0x44: {  	s29 =	sadd.s32 $0xFFFFFF80, s26;
	s28 =	sadd.s32 s28, s12;
	[sflag:s14] =	ssyncadd.s32 $0xFFFFC000  }
0x45: {  	[tilespmem:s18], [sflag:$0x1] =	stream.indirect.gather [hbm4b:s4+s17], $0x80, s29, s17, $0xb8;
	[tilespmem:$0x1E900] =	vst v63  }
0x46: {  	s29 =	sadd.s32 $0x20, s28  }
0x47: {  	[tilespmem:s15], [sflag:$0x3] =	stream.linear.gather [hbm4b:s29+s3], $0x80, $0x38;
	[tilespmem:$0x1E900] =	vst v63  }
0x48: {  	_ =	swait.ge [sflag:s22], $0x4000  }
0x49: {  	[sflag:s22] =	ssyncset.done $0x0  }
0x4a: {  	[sflag:s22] =	ssyncadd.s32 $0xFFFFC000  }
0x4b: {  	_ =	swait.ge [sflag:s23], $0x80  }
0x4c: {  	[sflag:s23] =	ssyncset.done $0x0  }
0x4d: {  	[sflag:s23] =	ssyncadd.s32 $0xFFFFFF80  }
0x4e: {  	[spmem:s2] =	stream.indirect.scatter.add.f32 [tilespmem:s19], [sflag:$0x5], $0x80, s16, s17, $0xb8;
	[tilespmem:$0x1E900] =	vst v63  }
.Ltmp0:
0x4f: {  	_ =	swait.ge [sflag:s14], $0x4000;
	(pc) =	sbr.rel @p0 .LBB2_2-.Ltmp0, $4  }
0x50: {  	[sflag:s14] =	ssyncset.done $0x0  }
0x51: {  	[sflag:s14] =	ssyncadd.s32 $0xFFFFC000  }
0x52: {  	[tilespmem:s19], [sflag:$0x2] =	stream.indirect.gather [hbm4b:s4+s17], $0x80, s26, s17, $0xb8;
	[tilespmem:$0x1E900] =	vst v63  }
0x53: {  	s28 =	sadd.s32 $0x30, s28;
	s26 =	sadd.s32 $0x100, s26  }
0x54: {  	[tilespmem:s16], [sflag:$0x4] =	stream.linear.gather [hbm4b:s28+s3], $0x80, $0x38;
	[tilespmem:$0x1E900] =	vst v63  }
0x55: {  	_ =	swait.ge [sflag:s20], $0x4000  }
0x56: {  	[sflag:s20] =	ssyncset.done $0x0  }
0x57: {  	[sflag:s20] =	ssyncadd.s32 $0xFFFFC000  }
0x58: {  	_ =	swait.ge [sflag:s22], $0x4000  }
0x59: {  	[sflag:s22] =	ssyncset.done $0x0  }
0x5a: {  	[sflag:s22] =	ssyncadd.s32 $0xFFFFC000  }
0x5b: {  	_ =	swait.ge [sflag:s21], $0x80  }
0x5c: {  	[sflag:s21] =	ssyncset.done $0x0  }
0x5d: {  	[sflag:s21] =	ssyncadd.s32 $0xFFFFFF80  }
0x5e: {  	_ =	swait.ge [sflag:s23], $0x80  }
0x5f: {  	s24 =	sadd.s32 $0x1, s24;
	[sflag:s23] =	ssyncset.done $0x0  }
0x60: {  	p0 =	sne.s32 s24, s11;
	[sflag:s23] =	ssyncadd.s32 $0xFFFFFF80  }
.Ltmp1:
0x61: {  	[bflag:$0x0] =	sbarrier.arrive $0xFFFF;
	(pc) =	sbr.rel @p0 .LBB2_1-.Ltmp1, $4  }
0x62: {  	[hbm:s10], [sflag:s6] =	dma.local [spmem:s13], $0x2780  }
0x63: {  	_ =	swait.ge [sflag:s14], $0x2780  }
0x64: {  	[sflag:s14] =	ssyncset.done $0x0  }
0x65: {  	[sflag:s14] =	ssyncadd.s32 $0xFFFFD880  }
0x66: {  	_ =	sfence.sel $0x180000  }
0x67: {  	[bflag:$0x0] =	sbarrier.arrive $0xFFFF  }
0x68: {  	p0 =	sne.s32 s0, $0x0;
	_ =	strace $0x9000004A  }
0x69: {  	s0 =	sadd.s32 @!p0 $0x100000, s1;
	[bflag:$0x2] =	sbarrier.arrive $0xFFFF  }
0x6a: {  	[sflag:s0] =	ssyncadd.tile.s32 @!p0 $0x1;
	_ =	shalt  }
.Lfunc_end2:
_tile_overlayer_lowered:
.L_overlay_start_2:
0x6b: {  	(tag) =	ssettag $0x2  }
0x6c: {  	s0 =	rddreg [dreg:$0x0];
	s2 =	stileid.u32  }
0x6d: {  	s1 =	rddreg [dreg:$0x1];
	p0 =	sne.s32 s2, $0x0  }
0x6e: {  	s3 =	rddreg [dreg:$0x2];
	[bflag:$0x3] =	sbarrier.arrive $0xFFFF;
	s2 =	simm.s32 @!p0 $0x1C05  }
0x6f: {  	[timem:s3], [sflag:s2] =	dma.local @!p0 [hbm:s0], s1  }
0x70: {  	s0 =	simm.s32 @!p0 $0x5  }
0x71: {  	_ =	swait.ge @!p0 [sflag:s0], s1  }
0x72: {  	s1 =	ssub.s32 @!p0 $0x0, s1;
	[sflag:s0] =	ssyncset.done @!p0 $0x0  }
0x73: {  	[sflag:s0] =	ssyncadd.s32 @!p0 s1  }
0x74: {  	[bflag:$0x3] =	sbarrier.arrive $0xFFFF  }
0x75: {  	_ =	shalt  }

// kernel: kernel.14.cloned.1.call-start
scs
__scs_entry_jumppad:
0x0: {  	(pc) =	sbr.rel $0x88, $3  }
0x1: {  	(tag) =	ssettag $0x0;
	lr =	simm.s32 $0x1  }
0x2: {  	[smem:$0x3F94] =	sst lr;
	_ =	strace $0xD0000000  }
0x3: {  	_ = 	snop  }
0x4: {  	_ = 	snop  }
0x5: {  	_ = 	snop  }
0x6: {  	_ = 	snop  }
0x7: {  	_ = 	snop  }
__scs_overlays_trampoline_lowered:
0x8: {  	[smem:$0x3FA3] =	sst s0  }
0x9: {  	[smem:$0x3FA4] =	sst s1  }
0xa: {  	[smem:$0x3FA5] =	sst s2  }
0xb: {  	[smem:$0x3FA6] =	sst s3  }
0xc: {  	[smem:$0x3FA7] =	sst s4  }
0xd: {  	[smem:$0x3FA8] =	sst s5  }
0xe: {  	[smem:$0x3FA9] =	sst s6  }
0xf: {  	[smem:$0x3FAA] =	sst s7  }
0x10: {  	[smem:$0x3FAB] =	sst s8  }
0x11: {  	[smem:$0x3FAC] =	sst s9;
	s0 =	simm.s32 @!p0 $0x0  }
0x12: {  	s1 =	sld [smem:$0x3F92];
	s0 =	simm.s32 @p0 $0x1  }
0x13: {  	[smem:$0x3FAD] =	sst s0;
	s0 =	simm.s32 @!p1 $0x0  }
0x14: {  	s2 =	sld [smem:$0x3F91];
	s0 =	simm.s32 @p1 $0x1  }
0x15: {  	[smem:$0x3FAE] =	sst s0;
	s0 =	simm.s32 @!p2 $0x0  }
0x16: {  	s3 =	sld [smem:$0x3FDB];
	s0 =	simm.s32 @p2 $0x1  }
0x17: {  	s4 =	simm.s32 $0x1BF5;
	[smem:$0x3FB0] =	sst s0  }
0x18: {  	s0 =	sld [smem:$0x3F93];
	_ =	swait.ge [sflag:s4], $0x0  }
0x19: {  	s7 =	sld [smem:$0x3F94]  }
0x1a: {  	s8 =	sadd.s32 $0xFFFFE003, lr  }
0x1b: {  	s9 =	sadd.s32 $0xFFFFFEF7, lr;
	s5 =	simm.s32 $0xFFFFFFFF;
	p2 =	slt.u32 s8, $0xFFFFF086  }
0x1c: {  	p1 =	slt.u32 s9, $0xF7A;
	s5 =	simm.s32 @!p2 $0x0  }
0x1d: {  	s5 =	simm.s32 @p1 $0x1;
	p0 =	seq.s32 s7, s2  }
0x1e: {  	s7 =	smul.u32 @!p0 $0xF7A, s2;
	p2 =	seq.s32 @!p0 s5, $0x0  }
0x1f: {  	s9 =	smul.u32 $0xF7A, s1;
	s8 =	simm.s32 @!p0 $0x1BF5;
	p2 =	por !p2, p0  }
0x20: {  	[sflag:s8] =	ssyncset.s32 @!p0 $0xFFFFF086;
	s6 =	sadd.s32 @!p0 s3, s7;
	s7 =	simm.s32 @!p0 $0x108  }
0x21: {  	s3 =	sadd.s32 s3, s9;
	s6 =	sadd.s32 @!p0 $0x88, s6;
	s7 =	simm.s32 @p2 $0x1082  }
0x22: {  	[simem:s7], [sflag:s8] =	dma.local @!p0 [hbm:s6], $0xF7A  }
0x23: {  	s9 =	sor.u32 $0xD0000000, s2;
	s6 =	simm.s32 $0x108;
	_ =	swait.ge @!p0 [sflag:s8], $0x0  }
0x24: {  	s3 =	sadd.s32 $0x88, s3;
	s6 =	simm.s32 @!p1 $0x1082;
	[sflag:s4] =	ssyncset.s32 $0xFFFFF086  }
0x25: {  	[simem:s6], [sflag:s4] =	dma.local [hbm:s3], $0xF7A  }
0x26: {  	[smem:$0x3F94] =	sst s1;
	(tag) =	ssettag s2;
	_ =	strace s9  }
0x27: {  	s1 =	sld [smem:$0x3FA4]  }
0x28: {  	s2 =	sld [smem:$0x3FA5]  }
0x29: {  	s4 =	sld [smem:$0x3FA7]  }
0x2a: {  	p0 =	seq.s32 s5, $0x0;
	s5 =	sld [smem:$0x3FA8]  }
0x2b: {  	s6 =	sld [smem:$0x3FA9]  }
0x2c: {  	s7 =	sld [smem:$0x3FAA]  }
0x2d: {  	s3 =	simm.s32 $0x108;
	s8 =	sld [smem:$0x3FAB]  }
0x2e: {  	s3 =	simm.s32 @!p0 $0x1082;
	s9 =	sld [smem:$0x3FAC]  }
0x2f: {  	lr =	sadd.s32 s0, s3;
	s0 =	sld [smem:$0x3FA3]  }
0x30: {  	s3 =	sld [smem:$0x3FA6]  }
0x31: {  	[smem:$0x3FAF] =	sst s10  }
0x32: {  	s10 =	sld [smem:$0x3FAD];
	_ =	sdelay $0x3  }
0x33: {  	p0 =	seq.s32 s10, $0x1;
	s10 =	sld [smem:$0x3FAF];
	_ =	sdelay $0x3  }
0x34: {  	[smem:$0x3FAF] =	sst s10  }
0x35: {  	s10 =	sld [smem:$0x3FAE];
	_ =	sdelay $0x3  }
0x36: {  	p1 =	seq.s32 s10, $0x1;
	s10 =	sld [smem:$0x3FAF];
	_ =	sdelay $0x3  }
0x37: {  	[smem:$0x3FAF] =	sst s10  }
0x38: {  	s10 =	sld [smem:$0x3FB0]  }
0x39: {  	_ = 	snop;
	(pc) =	sbr.ind lr, $3  }
0x3a: {  	_ = 	snop  }
0x3b: {  	_ = 	snop  }
0x3c: {  	p2 =	seq.s32 s10, $0x1;
	s10 =	sld [smem:$0x3FAF]  }
0x3d: {  	_ =	shalt  }
0x3e: {  	_ =	shalt  }
0x3f: {  	_ =	shalt  }
0x40: {  	_ =	shalt  }
0x41: {  	_ =	shalt  }
0x42: {  	_ =	shalt  }
0x43: {  	_ =	shalt  }
0x44: {  	_ =	shalt  }
0x45: {  	_ =	shalt  }
0x46: {  	_ =	shalt  }
0x47: {  	_ =	shalt  }
0x48: {  	_ =	shalt  }
0x49: {  	_ =	shalt  }
0x4a: {  	_ =	shalt  }
0x4b: {  	_ =	shalt  }
0x4c: {  	_ =	shalt  }
0x4d: {  	_ =	shalt  }
0x4e: {  	_ =	shalt  }
0x4f: {  	_ =	shalt  }
0x50: {  	_ =	shalt  }
0x51: {  	_ =	shalt  }
0x52: {  	_ =	shalt  }
0x53: {  	_ =	shalt  }
0x54: {  	_ =	shalt  }
0x55: {  	_ =	shalt  }
0x56: {  	_ =	shalt  }
0x57: {  	_ =	shalt  }
0x58: {  	_ =	shalt  }
0x59: {  	_ =	shalt  }
0x5a: {  	_ =	shalt  }
0x5b: {  	_ =	shalt  }
0x5c: {  	_ =	shalt  }
0x5d: {  	_ =	shalt  }
0x5e: {  	_ =	shalt  }
0x5f: {  	_ =	shalt  }
0x60: {  	_ =	shalt  }
0x61: {  	_ =	shalt  }
0x62: {  	_ =	shalt  }
0x63: {  	_ =	shalt  }
0x64: {  	_ =	shalt  }
0x65: {  	_ =	shalt  }
0x66: {  	_ =	shalt  }
0x67: {  	_ =	shalt  }
0x68: {  	_ =	shalt  }
0x69: {  	_ =	shalt  }
0x6a: {  	_ =	shalt  }
0x6b: {  	_ =	shalt  }
0x6c: {  	_ =	shalt  }
0x6d: {  	_ =	shalt  }
0x6e: {  	_ =	shalt  }
0x6f: {  	_ =	shalt  }
0x70: {  	_ =	shalt  }
0x71: {  	_ =	shalt  }
0x72: {  	_ =	shalt  }
0x73: {  	_ =	shalt  }
0x74: {  	_ =	shalt  }
0x75: {  	_ =	shalt  }
0x76: {  	_ =	shalt  }
0x77: {  	_ =	shalt  }
0x78: {  	_ =	shalt  }
0x79: {  	_ =	shalt  }
0x7a: {  	_ =	shalt  }
0x7b: {  	_ =	shalt  }
0x7c: {  	_ =	shalt  }
0x7d: {  	_ =	shalt  }
0x7e: {  	_ =	shalt  }
0x7f: {  	_ =	shalt  }
0x80: {  	_ =	shalt  }
0x81: {  	_ =	shalt  }
0x82: {  	_ =	shalt  }
0x83: {  	_ =	shalt  }
0x84: {  	_ =	shalt  }
0x85: {  	_ =	shalt  }
0x86: {  	_ =	shalt  }
0x87: {  	_ =	shalt  }
.Lfunc_end0:
.L_simem_size_0:
called_computation.2_lowered:
.L_overlay_start_0:
0x88: {  	s2 =	sld [smem:$0x3FD9]  }
0x89: {  	s3 =	sld [smem:$0x3FFE];
	_ =	sdelay $0x1  }
0x8a: {  	s1 =	srdreg.scid  }
0x8b: {  	s0 =	sand.u32 $0x1, s1  }
0x8c: {  	s16 =	sshll.u32 s0, $0xA;
	s2 =	sadd.s32 s3, s2  }
0x8d: {  	s2 =	sadd.s32 s2, s16  }
0x8e: {  	[smem:$0x3FBB] =	sst s2  }
0x8f: {  	_ = 	snop  }
0x90: {  	(tm) =	ssettm $0x1  }
0x91: {  	s17 =	sld [smem:$0x3FFB];
	_ =	sdelay $0x3  }
0x92: {  	_ =	strace s17  }
0x93: {  	s2 =	sld [smem:$0x3FFC];
	_ =	sdelay $0x3  }
0x94: {  	_ =	strace s2  }
0x95: {  	s2 =	sld [smem:$0x3FFD];
	_ =	sdelay $0x3  }
0x96: {  	_ =	strace s2  }
0x97: {  	_ =	strace $0x8FFFFFFF  }
0x98: {  	s18 =	sld [smem:$0x3FDB];
	_ =	sdelay $0x1  }
0x99: {  	s19 =	simm.s32 $_scs_section_size  }
0x9a: {  	s4 =	simm.s32 $_size__tile_overlayer_lowered;
	s5 =	simm.s32 $_tile_overlayer_lowered  }
0x9b: {  	s22 =	simm.s32 $0x1BFF;
	s21 =	sshll.u32 s5, $0x1;
	s2 =	sadd.s32 s19, s18  }
0x9c: {  	s6 =	simm.s32 $0x0;
	s20 =	sshll.u32 s4, $0x1;
	s4 =	sadd.s32 s21, s2  }
0x9d: {  	[timem:s6], [sflag:s22] =	dma.local [hbm:s4], s20  }
0x9e: {  	_ =	swait.ge [sflag:s22], s20  }
0x9f: {  	s3 =	ssub.s32 $0x0, s20;
	[sflag:s22] =	ssyncset.done $0x0  }
0xa0: {  	[sflag:s22] =	ssyncadd.s32 s3;
	_ =	sdelay $0x1  }
0xa1: {  	s23 =	simm.s32 $0x1B8B  }
0xa2: {  	_ =	swait.ge [sflag:s23], $0x1  }
0xa3: {  	[sflag:s23] =	ssyncset.done $0x0  }
0xa4: {  	s25 =	simm.s32 $0x1B8E;
	s24 =	sld [smem:$0x3FFE];
	[sflag:s23] =	ssyncadd.s32 $0xFFFFFFFF  }
0xa5: {  	s26 =	simm.s32 $execute0_lowered;
	[smem:$0x3FD2] =	sst s25  }
0xa6: {  	s4 =	sshll.u32 s26, $0x1;
	_ =	strace $0x8000004C;
	[dreg:$0x1] =	wrdreg $0xFFFFFFFF  }
0xa7: {  	s28 =	simm.s32 $_size_execute0_lowered;
	s2 =	sadd.s32 s2, s4;
	[dreg:$0x0] =	wrdreg $0x0  }
0xa8: {  	s4 =	sshll.u32 s28, $0x1;
	[dreg:$0x2] =	wrdreg s2  }
0xa9: {  	[dreg:$0x3] =	wrdreg s4  }
0xaa: {  	[dreg:$0x4] =	wrdreg $0xC0  }
0xab: {  	_ =	task [dreg:s6], $0x5FFFF  }
0xac: {  	[dreg:$0x1] =	wrdreg $0xFFFFFFFF  }
0xad: {  	[dreg:$0x0] =	wrdreg $0x60  }
0xae: {  	[dreg:$0x2] =	wrdreg s24  }
0xaf: {  	[dreg:$0x3] =	wrdreg $0xAD000  }
0xb0: {  	[dreg:$0x4] =	wrdreg $0x9  }
0xb1: {  	_ =	task.clear_ibuf [dreg:s6], $0x5FFFF;
	_ =	strace $0x9000004C  }
0xb2: {  	s29 =	simm.s32 $0x9;
	_ =	strace $0x8000004E  }
0xb3: {  	_ =	swait.ge [sflag:s29], $0x1  }
0xb4: {  	[sflag:s29] =	ssyncadd.s32 $0xFFFFFFFF  }
0xb5: {  	_ =	strace $0x9000004E  }
0xb6: {  	_ =	sfence  }
0xb7: {  	s30 =	sld [smem:$0x0];
	_ =	sdelay $0x2  }
0xb8: {  	s31 =	sshll.u32 s1, $0xD;
	s1 =	sshrl.u32 s1, $0x2  }
0xb9: {  	s3 =	sand.u32 $0x4000, s31;
	s1 =	sadd.s32 s1, s30  }
0xba: {  	s0 =	sor.u32 s3, s0;
	s1 =	sshll.u32 s1, $0x11  }
0xbb: {  	s0 =	sor.u32 s1, s0  }
0xbc: {  	s0 =	sadd.s32 $0x8F2B, s0  }
0xbd: {  	[sflag:s0] =	ssyncadd.remote.s32 $0x1  }
0xbe: {  	_ =	sfence.sel $0xFFFF  }
0xbf: {  	[dreg:$0x0] =	wrdreg $0xFFFFFFFF;
	(pc) =	sbr.abs _section_cstart, $3  }
0xc0: {  	[dreg:$0x1] =	wrdreg $0xFFFFFFFF  }
0xc1: {  	_ =	task.clear_ibuf [dreg:s6], $0x2FFFF;
	_ =	strace $0x9FFFFFFF  }
0xc2: {  	(tm) =	ssettm $0x7FFFFFFF  }
0xc3: {  	_ =	shalt  }
tec
execute0_lowered:
.L_overlay_start_1:
0x0: {  	(tag) =	ssettag $0x1  }
0x1: {  	s0 =	srdreg.scid;
	s7 =	rddreg [dreg:$0x0]  }
0x2: {  	s2 =	rddreg [dreg:$0x1];
	s3 =	simm.s32 $0x0;
	s17 =	simm.s32 $0x80  }
0x3: {  	s18 =	simm.s32 $0x2D00;
	s19 =	simm.s32 $0x6D00;
	s20 =	simm.s32 $0x1  }
0x4: {  	s21 =	simm.s32 $0x3;
	s22 =	simm.s32 $0x2;
	s6 =	sand.u32 $0x1, s0  }
0x5: {  	s23 =	simm.s32 $0x4;
	s0 =	stileid.u32;
	s5 =	smul.u32 $0x13C000, s6  }
0x6: {  	s24 =	simm.s32 $0x0;
	[smem:$0x7FF] =	sst s3;
	s9 =	smul.u32 $0x13C00, s0  }
0x7: {  	s11 =	sadd.s32 $0xD800, s7;
	s1 =	sshll.u32 s6, $0x4;
	s13 =	smul.u32 $0x4F000, s0  }
0x8: {  	s12 =	ssub.s32 $0x2, s6;
	s30 =	sshll.u32 s0, $0x6;
	s31 =	smul.u32 $0x5000, s6  }
0x9: {  	s16 =	smul.u32 $0x500, s0;
	s4 =	sor.u32 s0, s1;
	s1 =	rddreg [dreg:$0x2]  }
0xa: {  	_ =	strace $0x8000004D;
	s14 =	sshrl.u32 s12, $0x1;
	s6 =	sor.u32 $0x1C05, s30  }
0xb: {  	s8 =	smul.u32 $0x500, s4;
	s4 =	sadd.s32 $0x32400, s7;
	s9 =	sadd.s32 s9, s5  }
0xc: {  	s5 =	sadd.s32 $0x3600, s7;
	s12 =	ssub.s32 s12, s14;
	s29 =	sshrl.u32 s13, $0x2  }
0xd: {  	s14 =	sadd.s32 s31, s11;
	s9 =	sshrl.u32 s9, $0x3;
	s13 =	sadd.s32 s29, s2  }
0xe: {  	s10 =	sadd.s32 s8, s7;
	s15 =	sadd.s32 s9, s7;
	s7 =	sadd.s32 s11, s8  }
0xf: {  	s11 =	smax.u32 s12, $0x1;
	s12 =	sadd.s32 s16, s14;
	s13 =	sshrl.u32 s13, $0x3  }
0x10: {  	s14 =	simm.s32 $0x5;
	s16 =	simm.s32 $0x2C80;
	s8 =	sadd.s32 $0x28200, s10  }
0x11: {  	s9 =	sadd.s32 $0x10, s7;
	s10 =	sadd.s32 $0x59600, s15;
	s15 =	simm.s32 $0x2C00  }
.LBB2_1:
0x12: {  	[spmem:s13], [sflag:s6] =	dma.local [hbm:s5], $0x2780  }
0x13: {  	_ =	swait.ge [sflag:s14], $0x2780  }
0x14: {  	[sflag:s14] =	ssyncset.done $0x0  }
0x15: {  	[sflag:s14] =	ssyncadd.s32 $0xFFFFD880  }
0x16: {  	[tilespmem:s3], [sflag:$0x5] =	stream.linear.gather [hbm4b:s8+s3], $0x2C00, $0x38;
	[tilespmem:$0x1E900] =	vst v63  }
0x17: {  	_ =	swait.ge [sflag:s14], $0x2C00  }
0x18: {  	[sflag:s14] =	ssyncset.done $0x0  }
0x19: {  	[sflag:s14] =	ssyncadd.s32 $0xFFFFD400  }
0x1a: {  	[tilespmem:s15], [sflag:$0x3] =	stream.linear.gather [hbm4b:s7+s3], $0x80, $0x38;
	[tilespmem:$0x1E900] =	vst v63  }
0x1b: {  	_ = 	snop  }
0x1c: {  	[tilespmem:s16], [sflag:$0x4] =	stream.linear.gather [hbm4b:s9+s3], $0x80, $0x38;
	[tilespmem:$0x1E900] =	vst v63  }
0x1d: {  	[bflag:$0x0] =	sbarrier.arrive $0xFFFF  }
0x1e: {  	[tilespmem:s18], [sflag:$0x1] =	stream.indirect.gather [hbm4b:s4+s17], $0x80, s3, s17, $0xb8;
	[tilespmem:$0x1E900] =	vst v63  }
0x1f: {  	_ = 	snop  }
0x20: {  	[tilespmem:s19], [sflag:$0x2] =	stream.indirect.gather [hbm4b:s4+s17], $0x80, s17, s17, $0xb8;
	[tilespmem:$0x1E900] =	vst v63  }
0x21: {  	_ =	swait.ge [sflag:s20], $0x4000  }
0x22: {  	[sflag:s20] =	ssyncset.done $0x0  }
0x23: {  	[sflag:s20] =	ssyncadd.s32 $0xFFFFC000  }
0x24: {  	_ =	swait.ge [sflag:s21], $0x80  }
0x25: {  	[sflag:s21] =	ssyncset.done $0x0  }
0x26: {  	[sflag:s21] =	ssyncadd.s32 $0xFFFFFF80  }
0x27: {  	[spmem:s2] =	stream.indirect.scatter.add.f32 [tilespmem:s18], [sflag:$0x5], $0x80, s15, s17, $0xb8;
	[tilespmem:$0x1E900] =	vst v63  }
0x28: {  	_ =	swait.ge [sflag:s14], $0x4000  }
0x29: {  	[sflag:s14] =	ssyncset.done $0x0  }
0x2a: {  	s25 =	simm.s32 $0x100;
	s26 =	sadd.s32 $0x0, s12;
	[sflag:s14] =	ssyncadd.s32 $0xFFFFC000  }
0x2b: {  	[tilespmem:s18], [sflag:$0x1] =	stream.indirect.gather [hbm4b:s4+s17], $0x80, s25, s17, $0xb8;
	[tilespmem:$0x1E900] =	vst v63  }
0x2c: {  	s30 =	sadd.s32 $0x20, s26  }
0x2d: {  	[tilespmem:s15], [sflag:$0x3] =	stream.linear.gather [hbm4b:s30+s3], $0x80, $0x38;
	[tilespmem:$0x1E900] =	vst v63  }
0x2e: {  	_ =	swait.ge [sflag:s22], $0x4000  }
0x2f: {  	[sflag:s22] =	ssyncset.done $0x0  }
0x30: {  	[sflag:s22] =	ssyncadd.s32 $0xFFFFC000  }
0x31: {  	_ =	swait.ge [sflag:s23], $0x80  }
0x32: {  	[sflag:s23] =	ssyncset.done $0x0  }
0x33: {  	[sflag:s23] =	ssyncadd.s32 $0xFFFFFF80  }
0x34: {  	[spmem:s2] =	stream.indirect.scatter.add.f32 [tilespmem:s19], [sflag:$0x5], $0x80, s16, s17, $0xb8;
	[tilespmem:$0x1E900] =	vst v63  }
0x35: {  	_ =	swait.ge [sflag:s14], $0x4000  }
0x36: {  	s31 =	simm.s32 $0x180;
	s28 =	sadd.s32 $0x30, s26;
	[sflag:s14] =	ssyncset.done $0x0  }
0x37: {  	s26 =	simm.s32 $0x280;
	s25 =	simm.s32 $0x20;
	[sflag:s14] =	ssyncadd.s32 $0xFFFFC000  }
0x38: {  	[tilespmem:s19], [sflag:$0x2] =	stream.indirect.gather [hbm4b:s4+s17], $0x80, s31, s17, $0xb8;
	[tilespmem:$0x1E900] =	vst v63  }
.LBB2_2:
0x39: {  	[tilespmem:s16], [sflag:$0x4] =	stream.linear.gather [hbm4b:s28+s3], $0x80, $0x38;
	[tilespmem:$0x1E900] =	vst v63  }
0x3a: {  	s28 =	smov.u32 s25  }
0x3b: {  	p0 =	sne.s32 s25, $0x4E0;
	s25 =	sadd.s32 $0x20, s25;
	_ =	swait.ge [sflag:s20], $0x4000  }
0x3c: {  	[sflag:s20] =	ssyncset.done $0x0  }
0x3d: {  	[sflag:s20] =	ssyncadd.s32 $0xFFFFC000  }
0x3e: {  	_ =	swait.ge [sflag:s21], $0x80  }
0x3f: {  	[sflag:s21] =	ssyncset.done $0x0  }
0x40: {  	[sflag:s21] =	ssyncadd.s32 $0xFFFFFF80  }
0x41: {  	[spmem:s2] =	stream.indirect.scatter.add.f32 [tilespmem:s18], [sflag:$0x5], $0x80, s15, s17, $0xb8;
	[tilespmem:$0x1E900] =	vst v63  }
0x42: {  	_ =	swait.ge [sflag:s14], $0x4000  }
0x43: {  	[sflag:s14] =	ssyncset.done $0x0  }
0x44: {  	s29 =	sadd.s32 $0xFFFFFF80, s26;
	s28 =	sadd.s32 s28, s12;
	[sflag:s14] =	ssyncadd.s32 $0xFFFFC000  }
0x45: {  	[tilespmem:s18], [sflag:$0x1] =	stream.indirect.gather [hbm4b:s4+s17], $0x80, s29, s17, $0xb8;
	[tilespmem:$0x1E900] =	vst v63  }
0x46: {  	s29 =	sadd.s32 $0x20, s28  }
0x47: {  	[tilespmem:s15], [sflag:$0x3] =	stream.linear.gather [hbm4b:s29+s3], $0x80, $0x38;
	[tilespmem:$0x1E900] =	vst v63  }
0x48: {  	_ =	swait.ge [sflag:s22], $0x4000  }
0x49: {  	[sflag:s22] =	ssyncset.done $0x0  }
0x4a: {  	[sflag:s22] =	ssyncadd.s32 $0xFFFFC000  }
0x4b: {  	_ =	swait.ge [sflag:s23], $0x80  }
0x4c: {  	[sflag:s23] =	ssyncset.done $0x0  }
0x4d: {  	[sflag:s23] =	ssyncadd.s32 $0xFFFFFF80  }
0x4e: {  	[spmem:s2] =	stream.indirect.scatter.add.f32 [tilespmem:s19], [sflag:$0x5], $0x80, s16, s17, $0xb8;
	[tilespmem:$0x1E900] =	vst v63  }
.Ltmp0:
0x4f: {  	_ =	swait.ge [sflag:s14], $0x4000;
	(pc) =	sbr.rel @p0 .LBB2_2-.Ltmp0, $4  }
0x50: {  	[sflag:s14] =	ssyncset.done $0x0  }
0x51: {  	[sflag:s14] =	ssyncadd.s32 $0xFFFFC000  }
0x52: {  	[tilespmem:s19], [sflag:$0x2] =	stream.indirect.gather [hbm4b:s4+s17], $0x80, s26, s17, $0xb8;
	[tilespmem:$0x1E900] =	vst v63  }
0x53: {  	s28 =	sadd.s32 $0x30, s28;
	s26 =	sadd.s32 $0x100, s26  }
0x54: {  	[tilespmem:s16], [sflag:$0x4] =	stream.linear.gather [hbm4b:s28+s3], $0x80, $0x38;
	[tilespmem:$0x1E900] =	vst v63  }
0x55: {  	_ =	swait.ge [sflag:s20], $0x4000  }
0x56: {  	[sflag:s20] =	ssyncset.done $0x0  }
0x57: {  	[sflag:s20] =	ssyncadd.s32 $0xFFFFC000  }
0x58: {  	_ =	swait.ge [sflag:s22], $0x4000  }
0x59: {  	[sflag:s22] =	ssyncset.done $0x0  }
0x5a: {  	[sflag:s22] =	ssyncadd.s32 $0xFFFFC000  }
0x5b: {  	_ =	swait.ge [sflag:s21], $0x80  }
0x5c: {  	[sflag:s21] =	ssyncset.done $0x0  }
0x5d: {  	[sflag:s21] =	ssyncadd.s32 $0xFFFFFF80  }
0x5e: {  	_ =	swait.ge [sflag:s23], $0x80  }
0x5f: {  	s24 =	sadd.s32 $0x1, s24;
	[sflag:s23] =	ssyncset.done $0x0  }
0x60: {  	p0 =	sne.s32 s24, s11;
	[sflag:s23] =	ssyncadd.s32 $0xFFFFFF80  }
.Ltmp1:
0x61: {  	[bflag:$0x0] =	sbarrier.arrive $0xFFFF;
	(pc) =	sbr.rel @p0 .LBB2_1-.Ltmp1, $4  }
0x62: {  	[hbm:s10], [sflag:s6] =	dma.local [spmem:s13], $0x2780  }
0x63: {  	_ =	swait.ge [sflag:s14], $0x2780  }
0x64: {  	[sflag:s14] =	ssyncset.done $0x0  }
0x65: {  	[sflag:s14] =	ssyncadd.s32 $0xFFFFD880  }
0x66: {  	_ =	sfence.sel $0x180000  }
0x67: {  	[bflag:$0x0] =	sbarrier.arrive $0xFFFF  }
0x68: {  	p0 =	sne.s32 s0, $0x0;
	_ =	strace $0x9000004D  }
0x69: {  	s0 =	sadd.s32 @!p0 $0x100000, s1;
	[bflag:$0x2] =	sbarrier.arrive $0xFFFF  }
0x6a: {  	[sflag:s0] =	ssyncadd.tile.s32 @!p0 $0x1;
	_ =	shalt  }
.Lfunc_end2:
_tile_overlayer_lowered:
.L_overlay_start_2:
0x6b: {  	(tag) =	ssettag $0x2  }
0x6c: {  	s0 =	rddreg [dreg:$0x0];
	s2 =	stileid.u32  }
0x6d: {  	s1 =	rddreg [dreg:$0x1];
	p0 =	sne.s32 s2, $0x0  }
0x6e: {  	s3 =	rddreg [dreg:$0x2];
	[bflag:$0x3] =	sbarrier.arrive $0xFFFF;
	s2 =	simm.s32 @!p0 $0x1C05  }
0x6f: {  	[timem:s3], [sflag:s2] =	dma.local @!p0 [hbm:s0], s1  }
0x70: {  	s0 =	simm.s32 @!p0 $0x5  }
0x71: {  	_ =	swait.ge @!p0 [sflag:s0], s1  }
0x72: {  	s1 =	ssub.s32 @!p0 $0x0, s1;
	[sflag:s0] =	ssyncset.done @!p0 $0x0  }
0x73: {  	[sflag:s0] =	ssyncadd.s32 @!p0 s1  }
0x74: {  	[bflag:$0x3] =	sbarrier.arrive $0xFFFF  }
0x75: {  	_ =	shalt  }

// kernel: kernel.8.cloned.1.call-start
scs
__scs_entry_jumppad:
0x0: {  	(pc) =	sbr.rel $0x88, $3  }
0x1: {  	(tag) =	ssettag $0x0;
	lr =	simm.s32 $0x1  }
0x2: {  	[smem:$0x3F94] =	sst lr;
	_ =	strace $0xD0000000  }
0x3: {  	_ = 	snop  }
0x4: {  	_ = 	snop  }
0x5: {  	_ = 	snop  }
0x6: {  	_ = 	snop  }
0x7: {  	_ = 	snop  }
__scs_overlays_trampoline_lowered:
0x8: {  	[smem:$0x3FA3] =	sst s0  }
0x9: {  	[smem:$0x3FA4] =	sst s1  }
0xa: {  	[smem:$0x3FA5] =	sst s2  }
0xb: {  	[smem:$0x3FA6] =	sst s3  }
0xc: {  	[smem:$0x3FA7] =	sst s4  }
0xd: {  	[smem:$0x3FA8] =	sst s5  }
0xe: {  	[smem:$0x3FA9] =	sst s6  }
0xf: {  	[smem:$0x3FAA] =	sst s7  }
0x10: {  	[smem:$0x3FAB] =	sst s8  }
0x11: {  	[smem:$0x3FAC] =	sst s9;
	s0 =	simm.s32 @!p0 $0x0  }
0x12: {  	s1 =	sld [smem:$0x3F92];
	s0 =	simm.s32 @p0 $0x1  }
0x13: {  	[smem:$0x3FAD] =	sst s0;
	s0 =	simm.s32 @!p1 $0x0  }
0x14: {  	s2 =	sld [smem:$0x3F91];
	s0 =	simm.s32 @p1 $0x1  }
0x15: {  	[smem:$0x3FAE] =	sst s0;
	s0 =	simm.s32 @!p2 $0x0  }
0x16: {  	s3 =	sld [smem:$0x3FDB];
	s0 =	simm.s32 @p2 $0x1  }
0x17: {  	s4 =	simm.s32 $0x1BF5;
	[smem:$0x3FB0] =	sst s0  }
0x18: {  	s0 =	sld [smem:$0x3F93];
	_ =	swait.ge [sflag:s4], $0x0  }
0x19: {  	s7 =	sld [smem:$0x3F94]  }
0x1a: {  	s8 =	sadd.s32 $0xFFFFE003, lr  }
0x1b: {  	s9 =	sadd.s32 $0xFFFFFEF7, lr;
	s5 =	simm.s32 $0xFFFFFFFF;
	p2 =	slt.u32 s8, $0xFFFFF086  }
0x1c: {  	p1 =	slt.u32 s9, $0xF7A;
	s5 =	simm.s32 @!p2 $0x0  }
0x1d: {  	s5 =	simm.s32 @p1 $0x1;
	p0 =	seq.s32 s7, s2  }
0x1e: {  	s7 =	smul.u32 @!p0 $0xF7A, s2;
	p2 =	seq.s32 @!p0 s5, $0x0  }
0x1f: {  	s9 =	smul.u32 $0xF7A, s1;
	s8 =	simm.s32 @!p0 $0x1BF5;
	p2 =	por !p2, p0  }
0x20: {  	[sflag:s8] =	ssyncset.s32 @!p0 $0xFFFFF086;
	s6 =	sadd.s32 @!p0 s3, s7;
	s7 =	simm.s32 @!p0 $0x108  }
0x21: {  	s3 =	sadd.s32 s3, s9;
	s6 =	sadd.s32 @!p0 $0x88, s6;
	s7 =	simm.s32 @p2 $0x1082  }
0x22: {  	[simem:s7], [sflag:s8] =	dma.local @!p0 [hbm:s6], $0xF7A  }
0x23: {  	s9 =	sor.u32 $0xD0000000, s2;
	s6 =	simm.s32 $0x108;
	_ =	swait.ge @!p0 [sflag:s8], $0x0  }
0x24: {  	s3 =	sadd.s32 $0x88, s3;
	s6 =	simm.s32 @!p1 $0x1082;
	[sflag:s4] =	ssyncset.s32 $0xFFFFF086  }
0x25: {  	[simem:s6], [sflag:s4] =	dma.local [hbm:s3], $0xF7A  }
0x26: {  	[smem:$0x3F94] =	sst s1;
	(tag) =	ssettag s2;
	_ =	strace s9  }
0x27: {  	s1 =	sld [smem:$0x3FA4]  }
0x28: {  	s2 =	sld [smem:$0x3FA5]  }
0x29: {  	s4 =	sld [smem:$0x3FA7]  }
0x2a: {  	p0 =	seq.s32 s5, $0x0;
	s5 =	sld [smem:$0x3FA8]  }
0x2b: {  	s6 =	sld [smem:$0x3FA9]  }
0x2c: {  	s7 =	sld [smem:$0x3FAA]  }
0x2d: {  	s3 =	simm.s32 $0x108;
	s8 =	sld [smem:$0x3FAB]  }
0x2e: {  	s3 =	simm.s32 @!p0 $0x1082;
	s9 =	sld [smem:$0x3FAC]  }
0x2f: {  	lr =	sadd.s32 s0, s3;
	s0 =	sld [smem:$0x3FA3]  }
0x30: {  	s3 =	sld [smem:$0x3FA6]  }
0x31: {  	[smem:$0x3FAF] =	sst s10  }
0x32: {  	s10 =	sld [smem:$0x3FAD];
	_ =	sdelay $0x3  }
0x33: {  	p0 =	seq.s32 s10, $0x1;
	s10 =	sld [smem:$0x3FAF];
	_ =	sdelay $0x3  }
0x34: {  	[smem:$0x3FAF] =	sst s10  }
0x35: {  	s10 =	sld [smem:$0x3FAE];
	_ =	sdelay $0x3  }
0x36: {  	p1 =	seq.s32 s10, $0x1;
	s10 =	sld [smem:$0x3FAF];
	_ =	sdelay $0x3  }
0x37: {  	[smem:$0x3FAF] =	sst s10  }
0x38: {  	s10 =	sld [smem:$0x3FB0]  }
0x39: {  	_ = 	snop;
	(pc) =	sbr.ind lr, $3  }
0x3a: {  	_ = 	snop  }
0x3b: {  	_ = 	snop  }
0x3c: {  	p2 =	seq.s32 s10, $0x1;
	s10 =	sld [smem:$0x3FAF]  }
0x3d: {  	_ =	shalt  }
0x3e: {  	_ =	shalt  }
0x3f: {  	_ =	shalt  }
0x40: {  	_ =	shalt  }
0x41: {  	_ =	shalt  }
0x42: {  	_ =	shalt  }
0x43: {  	_ =	shalt  }
0x44: {  	_ =	shalt  }
0x45: {  	_ =	shalt  }
0x46: {  	_ =	shalt  }
0x47: {  	_ =	shalt  }
0x48: {  	_ =	shalt  }
0x49: {  	_ =	shalt  }
0x4a: {  	_ =	shalt  }
0x4b: {  	_ =	shalt  }
0x4c: {  	_ =	shalt  }
0x4d: {  	_ =	shalt  }
0x4e: {  	_ =	shalt  }
0x4f: {  	_ =	shalt  }
0x50: {  	_ =	shalt  }
0x51: {  	_ =	shalt  }
0x52: {  	_ =	shalt  }
0x53: {  	_ =	shalt  }
0x54: {  	_ =	shalt  }
0x55: {  	_ =	shalt  }
0x56: {  	_ =	shalt  }
0x57: {  	_ =	shalt  }
0x58: {  	_ =	shalt  }
0x59: {  	_ =	shalt  }
0x5a: {  	_ =	shalt  }
0x5b: {  	_ =	shalt  }
0x5c: {  	_ =	shalt  }
0x5d: {  	_ =	shalt  }
0x5e: {  	_ =	shalt  }
0x5f: {  	_ =	shalt  }
0x60: {  	_ =	shalt  }
0x61: {  	_ =	shalt  }
0x62: {  	_ =	shalt  }
0x63: {  	_ =	shalt  }
0x64: {  	_ =	shalt  }
0x65: {  	_ =	shalt  }
0x66: {  	_ =	shalt  }
0x67: {  	_ =	shalt  }
0x68: {  	_ =	shalt  }
0x69: {  	_ =	shalt  }
0x6a: {  	_ =	shalt  }
0x6b: {  	_ =	shalt  }
0x6c: {  	_ =	shalt  }
0x6d: {  	_ =	shalt  }
0x6e: {  	_ =	shalt  }
0x6f: {  	_ =	shalt  }
0x70: {  	_ =	shalt  }
0x71: {  	_ =	shalt  }
0x72: {  	_ =	shalt  }
0x73: {  	_ =	shalt  }
0x74: {  	_ =	shalt  }
0x75: {  	_ =	shalt  }
0x76: {  	_ =	shalt  }
0x77: {  	_ =	shalt  }
0x78: {  	_ =	shalt  }
0x79: {  	_ =	shalt  }
0x7a: {  	_ =	shalt  }
0x7b: {  	_ =	shalt  }
0x7c: {  	_ =	shalt  }
0x7d: {  	_ =	shalt  }
0x7e: {  	_ =	shalt  }
0x7f: {  	_ =	shalt  }
0x80: {  	_ =	shalt  }
0x81: {  	_ =	shalt  }
0x82: {  	_ =	shalt  }
0x83: {  	_ =	shalt  }
0x84: {  	_ =	shalt  }
0x85: {  	_ =	shalt  }
0x86: {  	_ =	shalt  }
0x87: {  	_ =	shalt  }
.Lfunc_end0:
.L_simem_size_0:
called_computation_lowered:
.L_overlay_start_0:
0x88: {  	s2 =	sld [smem:$0x3FD9]  }
0x89: {  	s3 =	sld [smem:$0x3FFE];
	_ =	sdelay $0x1  }
0x8a: {  	s1 =	srdreg.scid  }
0x8b: {  	s0 =	sand.u32 $0x1, s1  }
0x8c: {  	s16 =	sshll.u32 s0, $0xA;
	s2 =	sadd.s32 s3, s2  }
0x8d: {  	s2 =	sadd.s32 s2, s16  }
0x8e: {  	[smem:$0x3FBB] =	sst s2  }
0x8f: {  	_ = 	snop  }
0x90: {  	(tm) =	ssettm $0x1  }
0x91: {  	s17 =	sld [smem:$0x3FFB];
	_ =	sdelay $0x3  }
0x92: {  	_ =	strace s17  }
0x93: {  	s2 =	sld [smem:$0x3FFC];
	_ =	sdelay $0x3  }
0x94: {  	_ =	strace s2  }
0x95: {  	s2 =	sld [smem:$0x3FFD];
	_ =	sdelay $0x3  }
0x96: {  	_ =	strace s2  }
0x97: {  	_ =	strace $0x8FFFFFFF  }
0x98: {  	s18 =	sld [smem:$0x3FDB];
	_ =	sdelay $0x1  }
0x99: {  	s19 =	simm.s32 $_scs_section_size  }
0x9a: {  	s4 =	simm.s32 $_size__tile_overlayer_lowered;
	s5 =	simm.s32 $_tile_overlayer_lowered  }
0x9b: {  	s22 =	simm.s32 $0x1BFF;
	s21 =	sshll.u32 s5, $0x1;
	s2 =	sadd.s32 s19, s18  }
0x9c: {  	s6 =	simm.s32 $0x0;
	s20 =	sshll.u32 s4, $0x1;
	s4 =	sadd.s32 s21, s2  }
0x9d: {  	[timem:s6], [sflag:s22] =	dma.local [hbm:s4], s20  }
0x9e: {  	_ =	swait.ge [sflag:s22], s20  }
0x9f: {  	s3 =	ssub.s32 $0x0, s20;
	[sflag:s22] =	ssyncset.done $0x0  }
0xa0: {  	[sflag:s22] =	ssyncadd.s32 s3;
	_ =	sdelay $0x1  }
0xa1: {  	s23 =	simm.s32 $0x1B8B  }
0xa2: {  	_ =	swait.ge [sflag:s23], $0x1  }
0xa3: {  	[sflag:s23] =	ssyncset.done $0x0  }
0xa4: {  	s25 =	simm.s32 $0x1B8E;
	s24 =	sld [smem:$0x3FFE];
	[sflag:s23] =	ssyncadd.s32 $0xFFFFFFFF  }
0xa5: {  	s26 =	simm.s32 $execute0_lowered;
	[smem:$0x3FD2] =	sst s25  }
0xa6: {  	s4 =	sshll.u32 s26, $0x1;
	_ =	strace $0x80000046;
	[dreg:$0x1] =	wrdreg $0xFFFFFFFF  }
0xa7: {  	s28 =	simm.s32 $_size_execute0_lowered;
	s2 =	sadd.s32 s2, s4;
	[dreg:$0x0] =	wrdreg $0x0  }
0xa8: {  	s4 =	sshll.u32 s28, $0x1;
	[dreg:$0x2] =	wrdreg s2  }
0xa9: {  	[dreg:$0x3] =	wrdreg s4  }
0xaa: {  	[dreg:$0x4] =	wrdreg $0xC0  }
0xab: {  	_ =	task [dreg:s6], $0x5FFFF  }
0xac: {  	[dreg:$0x1] =	wrdreg $0xFFFFFFFF  }
0xad: {  	[dreg:$0x0] =	wrdreg $0x60  }
0xae: {  	[dreg:$0x2] =	wrdreg s24  }
0xaf: {  	[dreg:$0x3] =	wrdreg $0x9  }
0xb0: {  	_ =	task.clear_ibuf [dreg:s6], $0x4FFFF;
	_ =	strace $0x90000046  }
0xb1: {  	s29 =	simm.s32 $0x9;
	_ =	strace $0x80000048  }
0xb2: {  	_ =	swait.ge [sflag:s29], $0x1  }
0xb3: {  	[sflag:s29] =	ssyncadd.s32 $0xFFFFFFFF  }
0xb4: {  	_ =	strace $0x90000048  }
0xb5: {  	_ =	sfence  }
0xb6: {  	s30 =	sld [smem:$0x0];
	_ =	sdelay $0x2  }
0xb7: {  	s31 =	sshll.u32 s1, $0xD;
	s1 =	sshrl.u32 s1, $0x2  }
0xb8: {  	s3 =	sand.u32 $0x4000, s31;
	s1 =	sadd.s32 s1, s30  }
0xb9: {  	s0 =	sor.u32 s3, s0;
	s1 =	sshll.u32 s1, $0x11  }
0xba: {  	s0 =	sor.u32 s1, s0  }
0xbb: {  	s0 =	sadd.s32 $0x8F2B, s0  }
0xbc: {  	[sflag:s0] =	ssyncadd.remote.s32 $0x1  }
0xbd: {  	_ =	sfence.sel $0xFFFF  }
0xbe: {  	[dreg:$0x0] =	wrdreg $0xFFFFFFFF;
	(pc) =	sbr.abs _section_cstart, $3  }
0xbf: {  	[dreg:$0x1] =	wrdreg $0xFFFFFFFF  }
0xc0: {  	_ =	task.clear_ibuf [dreg:s6], $0x2FFFF;
	_ =	strace $0x9FFFFFFF  }
0xc1: {  	(tm) =	ssettm $0x7FFFFFFF  }
tec
execute0_lowered:
.L_overlay_start_1:
0x0: {  	(tag) =	ssettag $0x1  }
0x1: {  	s0 =	srdreg.scid  }
0x2: {  	s4 =	rddreg [dreg:$0x0];
	s1 =	stileid.u32  }
0x3: {  	s2 =	simm.s32 $0x0;
	s9 =	simm.s32 $0x80;
	s10 =	simm.s32 $0x400  }
0x4: {  	s11 =	simm.s32 $0x0;
	s3 =	sand.u32 $0x1, s0;
	s0 =	rddreg [dreg:$0x1]  }
0x5: {  	[smem:$0x7FF] =	sst s2;
	s7 =	sshll.u32 s1, $0x4;
	s5 =	sshll.u32 s3, $0x4  }
0x6: {  	_ =	strace $0x80000047;
	s7 =	sand.u32 $0x70, s7;
	s8 =	ssub.s32 $0x2, s3  }
0x7: {  	s3 =	sadd.s32 $0x17A00, s4;
	s5 =	sor.u32 s1, s5;
	s7 =	sadd.s32 s7, s4  }
0x8: {  	s30 =	sshrl.u32 s8, $0x1;
	s6 =	smul.u32 $0x500, s5;
	s5 =	sshll.u32 s5, $0xB  }
0x9: {  	s31 =	ssub.s32 s8, s30;
	s8 =	simm.s32 $0x1;
	s5 =	sand.u32 $0xC000, s5  }
0xa: {  	s6 =	sadd.s32 s6, s4;
	s5 =	sadd.s32 s5, s7;
	s7 =	simm.s32 $0x2800  }
0xb: {  	v0 =	vimm.f32 $1.000000000e+00;
	s4 =	sadd.s32 $0x3600, s6;
	s5 =	sadd.s32 $0x18200, s5;
	s6 =	smax.u32 s31, $0x1  }
.LBB2_1:
0xc: {  	[tilespmem:s7], [sflag:$0x1] =	stream.linear.gather [hbm4b:s3+s2], $0x4000, $0x38;
	[tilespmem:$0x6800] =	vst v63  }
0xd: {  	_ =	swait.ge [sflag:s8], $0x4000  }
0xe: {  	[sflag:s8] =	ssyncset.done $0x0  }
0xf: {  	[sflag:s8] =	ssyncadd.s32 $0xFFFFC000  }
0x10: {  	[tilespmem:s2], [sflag:$0x1] =	stream.linear.gather [hbm4b:s4+s2], $0x2800, $0x38;
	[tilespmem:$0x6800] =	vst v63  }
0x11: {  	_ =	swait.ge [sflag:s8], $0x2800  }
0x12: {  	[sflag:s8] =	ssyncset.done $0x0  }
0x13: {  	s13 =	simm.s32 $0x0;
	s12 =	simm.s32 $0x40;
	[sflag:s8] =	ssyncadd.s32 $0xFFFFD800  }
.LBB2_2:
0x14: {  	p0 =	sne.s32 s12, $0x9FC0;
	v1 =	vld [tilespmem:s13+$0x0];
	_ =	sdelay $0x3  }
.Ltmp0:
0x15: {  	(pc) =	sbr.rel @p0 .LBB2_2-.Ltmp0, $2  }
0x16: {  	_ =	sdelay $0x2  }
0x17: {  	s13 =	sshra.s32 s12, $0x2;
	s12 =	sadd.s32 $0x40, s12;
	[tilespmem:v1+s7+$0x0] =	vst.idx.add.f32.msk $0xffff, v0  }
0x18: {  	v1 =	vld [tilespmem:s13+$0x0];
	_ =	sdelay $0x5  }
0x19: {  	s11 =	sadd.s32 $0x1, s11  }
0x1a: {  	p0 =	sne.s32 s11, s6  }
.Ltmp1:
0x1b: {  	[tilespmem:v1+s7+$0x0] =	vst.idx.add.f32.msk $0xffff, v0;
	(pc) =	sbr.rel @p0 .LBB2_1-.Ltmp1, $4  }
0x1c: {  	[hbm4b:s5+s9] =	stream.strided.scatter [tilespmem:s7], [sflag:$0x1], $0x4000, s10, s9, $0x38;
	[tilespmem:$0x6800] =	vst v63  }
0x1d: {  	_ =	swait.ge [sflag:s8], $0x4000  }
0x1e: {  	[sflag:s8] =	ssyncset.done $0x0  }
0x1f: {  	[sflag:s8] =	ssyncadd.s32 $0xFFFFC000  }
0x20: {  	_ =	sfence.sel $0x180000  }
0x21: {  	[bflag:$0x0] =	sbarrier.arrive $0xFFFF  }
0x22: {  	p0 =	sne.s32 s1, $0x0;
	_ =	strace $0x90000047  }
0x23: {  	s0 =	sadd.s32 @!p0 $0x100000, s0;
	[bflag:$0x2] =	sbarrier.arrive $0xFFFF  }
0x24: {  	[sflag:s0] =	ssyncadd.tile.s32 @!p0 $0x1;
	_ =	shalt  }
.Lfunc_end2:
_tile_overlayer_lowered:
.L_overlay_start_2:
0x25: {  	(tag) =	ssettag $0x2  }
0x26: {  	s0 =	rddreg [dreg:$0x0];
	s2 =	stileid.u32  }
0x27: {  	s1 =	rddreg [dreg:$0x1];
	p0 =	sne.s32 s2, $0x0  }
0x28: {  	s3 =	rddreg [dreg:$0x2];
	[bflag:$0x3] =	sbarrier.arrive $0xFFFF;
	s2 =	simm.s32 @!p0 $0x1C01  }
0x29: {  	[timem:s3], [sflag:s2] =	dma.local @!p0 [hbm:s0], s1  }
0x2a: {  	s0 =	simm.s32 @!p0 $0x1  }
0x2b: {  	_ =	swait.ge @!p0 [sflag:s0], s1  }
0x2c: {  	s1 =	ssub.s32 @!p0 $0x0, s1;
	[sflag:s0] =	ssyncset.done @!p0 $0x0  }
0x2d: {  	[sflag:s0] =	ssyncadd.s32 @!p0 s1  }
0x2e: {  	[bflag:$0x3] =	sbarrier.arrive $0xFFFF  }
0x2f: {  	_ =	shalt  }

</sc_bundles>
